<compile_context>
chip_gen: v7x
topology: tpu7x:2x2x1
jax: 0.10.2.dev20260603
libtpu: 0.0.44.dev20260713+nightly
codegen_flags: <defaults>
</compile_context>

<pallas_src>
import functools

import jax
import jax.numpy as jnp
from jax import lax
from jax.experimental import pallas as pl
from jax.experimental.pallas import tpu as pltpu
from jax.experimental.pallas import tpu_sc as plsc

N = 10000
E = 320000
D = 128

NC = 2
NS = 16
NW = NC * NS
EPW = E // NW
CHUNK = 100
NCHUNK = EPW // CHUNK
RPT = 640
N_PAD = RPT * NS
ZCH = 128
NZ = RPT // ZCH
DLANES = 16

_MESH = plsc.VectorSubcoreMesh(core_axis_name="c", subcore_axis_name="s")


def _edge_body(compute_deg, *refs):
    if compute_deg:
        (table, src4, dst4, zrow, zdeg, ones_h,
         acc_out, deg_out,
         acc_sp, deg_sp, src_v, dst_v, rows_v, ones_v, stage_v, dstage_v) = refs
    else:
        (table, src4, dst4, zrow,
         acc_out,
         acc_sp, src_v, dst_v, rows_v, stage_v) = refs

    cid = lax.axis_index("c")
    sid = lax.axis_index("s")
    wid = cid * NS + sid
    r0 = pl.multiple_of(sid * RPT, 8)

    pltpu.sync_copy(zrow, stage_v)
    if compute_deg:
        pltpu.sync_copy(zdeg, dstage_v)
        pltpu.sync_copy(ones_h, ones_v)
    for k in range(NZ):
        pltpu.sync_copy(stage_v, acc_sp.at[pl.ds(r0 + k * ZCH, ZCH)])
        if compute_deg:
            pltpu.sync_copy(dstage_v, deg_sp.at[pl.ds(r0 + k * ZCH, ZCH)])
    plsc.subcore_barrier()

    def chunk(c, carry):
        pltpu.sync_copy(src4.at[wid, c], src_v)
        pltpu.sync_copy(dst4.at[wid, c], dst_v)
        pltpu.sync_copy(table.at[src_v.at[0]], rows_v)
        pltpu.sync_copy(rows_v, acc_sp.at[dst_v.at[0]], add=True)
        if compute_deg:
            pltpu.sync_copy(ones_v, deg_sp.at[dst_v.at[0]], add=True)
        return carry

    lax.fori_loop(0, NCHUNK, chunk, 0)
    plsc.subcore_barrier()

    for k in range(NZ):
        rk = r0 + k * ZCH
        pltpu.sync_copy(acc_sp.at[pl.ds(rk, ZCH)], stage_v)
        pltpu.sync_copy(stage_v, acc_out.at[cid, pl.ds(rk, ZCH)])
        if compute_deg:
            pltpu.sync_copy(deg_sp.at[pl.ds(rk, ZCH)], dstage_v)
            pltpu.sync_copy(dstage_v, deg_out.at[cid, pl.ds(rk, ZCH)])


_edge_agg_deg = pl.kernel(
    functools.partial(_edge_body, True),
    out_type=(jax.ShapeDtypeStruct((NC, N_PAD, D), jnp.float32),
              jax.ShapeDtypeStruct((NC, N_PAD, DLANES), jnp.float32)),
    mesh=_MESH,
    compiler_params=pltpu.CompilerParams(use_tc_tiling_on_sc=False),
    scratch_types=[
        pltpu.VMEM_SHARED((N_PAD, D), jnp.float32),
        pltpu.VMEM_SHARED((N_PAD, DLANES), jnp.float32),
        pltpu.VMEM((1, CHUNK), jnp.int32),
        pltpu.VMEM((1, CHUNK), jnp.int32),
        pltpu.VMEM((CHUNK, D), jnp.float32),
        pltpu.VMEM((CHUNK, DLANES), jnp.float32),
        pltpu.VMEM((ZCH, D), jnp.float32),
        pltpu.VMEM((ZCH, DLANES), jnp.float32),
    ],
)

_edge_agg = pl.kernel(
    functools.partial(_edge_body, False),
    out_type=jax.ShapeDtypeStruct((NC, N_PAD, D), jnp.float32),
    mesh=_MESH,
    compiler_params=pltpu.CompilerParams(use_tc_tiling_on_sc=False),
    scratch_types=[
        pltpu.VMEM_SHARED((N_PAD, D), jnp.float32),
        pltpu.VMEM((1, CHUNK), jnp.int32),
        pltpu.VMEM((1, CHUNK), jnp.int32),
        pltpu.VMEM((CHUNK, D), jnp.float32),
        pltpu.VMEM((ZCH, D), jnp.float32),
    ],
)


def _mm_t(a, w):
    return lax.dot_general(a, w, (((1,), (1,)), ((), ())),
                           preferred_element_type=jnp.float32)


def _dense1_body(acc_ref, deg_ref, x_ref, wl1, bl1, wr1, gw, gb, gms, wr2,
                 y_ref, z_ref):
    deg = jnp.maximum((deg_ref[0, :, 0:1] + deg_ref[1, :, 0:1])[:N], 1.0)
    agg = (acc_ref[0] + acc_ref[1])[:N] / deg
    h = _mm_t(agg, wl1[...]) + bl1[...] + _mm_t(x_ref[...], wr1[...])
    h = jnp.maximum(h, 0.0)
    mean = jnp.mean(h, axis=0, keepdims=True)
    o = h - gms[...] * mean
    var = jnp.mean(o * o, axis=0, keepdims=True)
    y = gw[...] * o / jnp.sqrt(var + 1e-5) + gb[...]
    y_ref[...] = y
    z_ref[...] = _mm_t(y, wr2[...])


_dense1 = pl.pallas_call(
    _dense1_body,
    out_shape=(jax.ShapeDtypeStruct((N, D), jnp.float32),
               jax.ShapeDtypeStruct((N, D), jnp.float32)),
)


def _dense2_body(acc_ref, deg_ref, z_ref, wl2, bl2, out_ref):
    deg = jnp.maximum((deg_ref[0, :, 0:1] + deg_ref[1, :, 0:1])[:N], 1.0)
    agg = (acc_ref[0] + acc_ref[1])[:N] / deg
    out_ref[...] = _mm_t(agg, wl2[...]) + bl2[...] + z_ref[...]


_dense2 = pl.pallas_call(
    _dense2_body,
    out_shape=jax.ShapeDtypeStruct((N, D), jnp.float32),
)


def kernel(x, edge_index, Wl1, bl1, Wr1, gn_w, gn_b, gn_ms, Wl2, bl2, Wr2):
    src4 = edge_index[0].reshape(NW, NCHUNK, 1, CHUNK)
    dst4 = edge_index[1].reshape(NW, NCHUNK, 1, CHUNK)
    zrow = jnp.zeros((ZCH, D), jnp.float32)
    zdeg = jnp.zeros((ZCH, DLANES), jnp.float32)
    ones = jnp.ones((CHUNK, DLANES), jnp.float32)

    acc1, deg = _edge_agg_deg(x, src4, dst4, zrow, zdeg, ones)
    y, z = _dense1(acc1, deg, x, Wl1, bl1.reshape(1, D), Wr1,
                   gn_w.reshape(1, D), gn_b.reshape(1, D),
                   gn_ms.reshape(1, D), Wr2)
    acc2 = _edge_agg(y, src4, dst4, zrow)
    out = _dense2(acc2, deg, z, Wl2, bl2.reshape(1, D))
    return out

# --- scband reference (transcript-rebuilt; emitter-appended) ---
"""Pipeline reference for scband-sage-encoder-47485158425283 (READ-ONLY COPY).

The authoritative reference and input builder live on the scoring server;
editing this copy changes nothing except your own understanding.
"""

import jax, jax.numpy as jnp
import numpy as np

N = 10000
E = 320000
D = 128


def setup_inputs(seed: int = 0) -> dict:
    key = jax.random.key(seed)
    ks = jax.random.split(key, 16)
    s = 1.0 / np.sqrt(D)
    inp = {}
    inp['x'] = jax.random.normal(ks[0], (N, D), dtype=jnp.float32)
    inp['edge_index'] = jax.random.randint(ks[1], (2, E), 0, N, dtype=jnp.int32)
    # SAGEConv layer 1 params (PyG: lin_l with bias for aggregated neighbors, lin_r no bias for root)
    inp['Wl1'] = jax.random.normal(ks[2], (D, D), dtype=jnp.float32) * s
    inp['bl1'] = jnp.zeros((D,), dtype=jnp.float32)
    inp['Wr1'] = jax.random.normal(ks[3], (D, D), dtype=jnp.float32) * s
    # GraphNorm params
    inp['gn_w'] = jnp.ones((D,), dtype=jnp.float32)
    inp['gn_b'] = jnp.zeros((D,), dtype=jnp.float32)
    inp['gn_ms'] = jnp.ones((D,), dtype=jnp.float32)
    # SAGEConv layer 2 params
    inp['Wl2'] = jax.random.normal(ks[4], (D, D), dtype=jnp.float32) * s
    inp['bl2'] = jnp.zeros((D,), dtype=jnp.float32)
    inp['Wr2'] = jax.random.normal(ks[5], (D, D), dtype=jnp.float32) * s
    return inp


def _sage_conv(x, edge_index, Wl, bl, Wr):
    src = edge_index[0]
    dst = edge_index[1]
    msgs = jnp.take(x, src, axis=0)
    agg = jax.ops.segment_sum(msgs, dst, num_segments=N)
    deg = jax.ops.segment_sum(jnp.ones((msgs.shape[0],), dtype=x.dtype), dst, num_segments=N)
    agg = agg / jnp.clip(deg, 1.0)[:, None]
    return agg @ Wl.T + bl + x @ Wr.T


def _graph_norm(x, w, b, ms, eps=1e-5):
    # PyG GraphNorm with a single graph: per-feature mean over all nodes
    mean = jnp.mean(x, axis=0, keepdims=True)
    out = x - ms * mean
    var = jnp.mean(out * out, axis=0, keepdims=True)
    return w * out / jnp.sqrt(var + eps) + b


def reference(x, edge_index, Wl1, bl1, Wr1, gn_w, gn_b, gn_ms, Wl2, bl2, Wr2):
    h = _sage_conv(x, edge_index, Wl1, bl1, Wr1)
    h = jax.nn.relu(h)
    # dropout p=0.0 -> identity
    h = _graph_norm(h, gn_w, gn_b, gn_ms)
    h = _sage_conv(h, edge_index, Wl2, bl2, Wr2)
    return h

if __name__ == "__main__":
    import jax
    _d = setup_inputs()
    print(jax.jit(kernel)(*tuple(_d.values())))

</pallas_src>

<mosaic_0001>
#map = affine_map<(d0, d1) -> (0, 0)>
#map1 = affine_map<(d0, d1) -> (0, 0, 0, 0)>
#map2 = affine_map<(d0, d1) -> (0, 0, 0)>
module attributes {stable_mosaic.version = 14 : i64} {
  func.func @_edge_body(%arg0: i32, %arg1: i32, %arg2: memref<10000x128xf32, #tpu.memory_space<hbm>>, %arg3: memref<32x100x1x100xi32, #tpu.memory_space<hbm>>, %arg4: memref<32x100x1x100xi32, #tpu.memory_space<hbm>>, %arg5: memref<128x128xf32, #tpu.memory_space<hbm>>, %arg6: memref<2x10240x128xf32, #tpu.memory_space<hbm>>, %arg7: memref<10240x128xf32, #tpu.memory_space<vmem_shared>>, %arg8: memref<1x100xi32, #tpu.memory_space<vmem>>, %arg9: memref<1x100xi32, #tpu.memory_space<vmem>>, %arg10: memref<100x128xf32, #tpu.memory_space<vmem>>, %arg11: memref<128x128xf32, #tpu.memory_space<vmem>>) attributes {dimension_semantics = [#tpu.dimension_semantics<core_parallel>, #tpu.dimension_semantics<subcore_parallel>], iteration_bounds = array<i64: 2, 16>, scalar_prefetch = 0 : i64, scratch_operands = 5 : i64, tpu.core_type = #tpu.core_type<sc_vector_subcore>, window_params = [{transform_indices = #map}, {transform_indices = #map1}, {transform_indices = #map1}, {transform_indices = #map}, {transform_indices = #map2}]} {
    %mul3A = arith.constant 16 : i32
    %mul3A_0 = arith.muli %arg0, %mul3A : i32
    %add3A = arith.addi %mul3A_0, %arg1 : i32
    %mul3A_1 = arith.constant 640 : i32
    %mul3A_2 = arith.muli %arg1, %mul3A_1 : i32
    %multiple_of3A = tpu.assume_multiple %mul3A_2, 8 : i32
    "tpu.region"() ({
      %run_scoped3A = tpu.sem_alloc : memref<!tpu.dma_semaphore, #tpu.memory_space<semaphore_mem>>
      tpu.enqueue_dma source(%arg5 : memref<128x128xf32, #tpu.memory_space<hbm>>) target(%arg11 : memref<128x128xf32, #tpu.memory_space<vmem>>) target_semaphore(%run_scoped3A : memref<!tpu.dma_semaphore, #tpu.memory_space<semaphore_mem>>)
      tpu.wait_dma2 semaphore(%run_scoped3A : memref<!tpu.dma_semaphore, #tpu.memory_space<semaphore_mem>>) src(%arg5 : memref<128x128xf32, #tpu.memory_space<hbm>>) dst(%arg11 : memref<128x128xf32, #tpu.memory_space<vmem>>)
      tpu.yield
    }) : () -> ()
    %add3A_3 = arith.constant 0 : i32
    %add3A_4 = arith.addi %multiple_of3A, %add3A_3 : i32
    "tpu.region"() ({
      %run_scoped3A = tpu.sem_alloc : memref<!tpu.dma_semaphore, #tpu.memory_space<semaphore_mem>>
      %dma_start3A = arith.constant 0 : i32
      %dma_start3A_29 = tpu.memref_slice %arg7[%add3A_4, %dma_start3A] : memref<10240x128xf32, #tpu.memory_space<vmem_shared>> -> memref<128x128xf32, #tpu.memory_space<vmem_shared>>
      %dma_start3A_30 = arith.constant 0 : i32
      %dma_start3A_31 = tpu.memref_slice %arg7[%add3A_4, %dma_start3A_30] : memref<10240x128xf32, #tpu.memory_space<vmem_shared>> -> memref<128x128xf32, #tpu.memory_space<vmem_shared>>
      tpu.enqueue_dma source(%arg11 : memref<128x128xf32, #tpu.memory_space<vmem>>) target(%dma_start3A_31 : memref<128x128xf32, #tpu.memory_space<vmem_shared>>) target_semaphore(%run_scoped3A : memref<!tpu.dma_semaphore, #tpu.memory_space<semaphore_mem>>)
      %dma_wait3A = arith.constant 0 : i32
      %dma_wait3A_32 = tpu.memref_slice %arg7[%add3A_4, %dma_wait3A] : memref<10240x128xf32, #tpu.memory_space<vmem_shared>> -> memref<128x128xf32, #tpu.memory_space<vmem_shared>>
      %dma_wait3A_33 = arith.constant 0 : i32
      %dma_wait3A_34 = tpu.memref_slice %arg7[%add3A_4, %dma_wait3A_33] : memref<10240x128xf32, #tpu.memory_space<vmem_shared>> -> memref<128x128xf32, #tpu.memory_space<vmem_shared>>
      tpu.wait_dma2 semaphore(%run_scoped3A : memref<!tpu.dma_semaphore, #tpu.memory_space<semaphore_mem>>) src(%arg11 : memref<128x128xf32, #tpu.memory_space<vmem>>) dst(%dma_wait3A_34 : memref<128x128xf32, #tpu.memory_space<vmem_shared>>)
      tpu.yield
    }) : () -> ()
    %add3A_5 = arith.constant 128 : i32
    %add3A_6 = arith.addi %multiple_of3A, %add3A_5 : i32
    "tpu.region"() ({
      %run_scoped3A = tpu.sem_alloc : memref<!tpu.dma_semaphore, #tpu.memory_space<semaphore_mem>>
      %dma_start3A = arith.constant 0 : i32
      %dma_start3A_29 = tpu.memref_slice %arg7[%add3A_6, %dma_start3A] : memref<10240x128xf32, #tpu.memory_space<vmem_shared>> -> memref<128x128xf32, #tpu.memory_space<vmem_shared>>
      %dma_start3A_30 = arith.constant 0 : i32
      %dma_start3A_31 = tpu.memref_slice %arg7[%add3A_6, %dma_start3A_30] : memref<10240x128xf32, #tpu.memory_space<vmem_shared>> -> memref<128x128xf32, #tpu.memory_space<vmem_shared>>
      tpu.enqueue_dma source(%arg11 : memref<128x128xf32, #tpu.memory_space<vmem>>) target(%dma_start3A_31 : memref<128x128xf32, #tpu.memory_space<vmem_shared>>) target_semaphore(%run_scoped3A : memref<!tpu.dma_semaphore, #tpu.memory_space<semaphore_mem>>)
      %dma_wait3A = arith.constant 0 : i32
      %dma_wait3A_32 = tpu.memref_slice %arg7[%add3A_6, %dma_wait3A] : memref<10240x128xf32, #tpu.memory_space<vmem_shared>> -> memref<128x128xf32, #tpu.memory_space<vmem_shared>>
      %dma_wait3A_33 = arith.constant 0 : i32
      %dma_wait3A_34 = tpu.memref_slice %arg7[%add3A_6, %dma_wait3A_33] : memref<10240x128xf32, #tpu.memory_space<vmem_shared>> -> memref<128x128xf32, #tpu.memory_space<vmem_shared>>
      tpu.wait_dma2 semaphore(%run_scoped3A : memref<!tpu.dma_semaphore, #tpu.memory_space<semaphore_mem>>) src(%arg11 : memref<128x128xf32, #tpu.memory_space<vmem>>) dst(%dma_wait3A_34 : memref<128x128xf32, #tpu.memory_space<vmem_shared>>)
      tpu.yield
    }) : () -> ()
    %add3A_7 = arith.constant 256 : i32
    %add3A_8 = arith.addi %multiple_of3A, %add3A_7 : i32
    "tpu.region"() ({
      %run_scoped3A = tpu.sem_alloc : memref<!tpu.dma_semaphore, #tpu.memory_space<semaphore_mem>>
      %dma_start3A = arith.constant 0 : i32
      %dma_start3A_29 = tpu.memref_slice %arg7[%add3A_8, %dma_start3A] : memref<10240x128xf32, #tpu.memory_space<vmem_shared>> -> memref<128x128xf32, #tpu.memory_space<vmem_shared>>
      %dma_start3A_30 = arith.constant 0 : i32
      %dma_start3A_31 = tpu.memref_slice %arg7[%add3A_8, %dma_start3A_30] : memref<10240x128xf32, #tpu.memory_space<vmem_shared>> -> memref<128x128xf32, #tpu.memory_space<vmem_shared>>
      tpu.enqueue_dma source(%arg11 : memref<128x128xf32, #tpu.memory_space<vmem>>) target(%dma_start3A_31 : memref<128x128xf32, #tpu.memory_space<vmem_shared>>) target_semaphore(%run_scoped3A : memref<!tpu.dma_semaphore, #tpu.memory_space<semaphore_mem>>)
      %dma_wait3A = arith.constant 0 : i32
      %dma_wait3A_32 = tpu.memref_slice %arg7[%add3A_8, %dma_wait3A] : memref<10240x128xf32, #tpu.memory_space<vmem_shared>> -> memref<128x128xf32, #tpu.memory_space<vmem_shared>>
      %dma_wait3A_33 = arith.constant 0 : i32
      %dma_wait3A_34 = tpu.memref_slice %arg7[%add3A_8, %dma_wait3A_33] : memref<10240x128xf32, #tpu.memory_space<vmem_shared>> -> memref<128x128xf32, #tpu.memory_space<vmem_shared>>
      tpu.wait_dma2 semaphore(%run_scoped3A : memref<!tpu.dma_semaphore, #tpu.memory_space<semaphore_mem>>) src(%arg11 : memref<128x128xf32, #tpu.memory_space<vmem>>) dst(%dma_wait3A_34 : memref<128x128xf32, #tpu.memory_space<vmem_shared>>)
      tpu.yield
    }) : () -> ()
    %add3A_9 = arith.constant 384 : i32
    %add3A_10 = arith.addi %multiple_of3A, %add3A_9 : i32
    "tpu.region"() ({
      %run_scoped3A = tpu.sem_alloc : memref<!tpu.dma_semaphore, #tpu.memory_space<semaphore_mem>>
      %dma_start3A = arith.constant 0 : i32
      %dma_start3A_29 = tpu.memref_slice %arg7[%add3A_10, %dma_start3A] : memref<10240x128xf32, #tpu.memory_space<vmem_shared>> -> memref<128x128xf32, #tpu.memory_space<vmem_shared>>
      %dma_start3A_30 = arith.constant 0 : i32
      %dma_start3A_31 = tpu.memref_slice %arg7[%add3A_10, %dma_start3A_30] : memref<10240x128xf32, #tpu.memory_space<vmem_shared>> -> memref<128x128xf32, #tpu.memory_space<vmem_shared>>
      tpu.enqueue_dma source(%arg11 : memref<128x128xf32, #tpu.memory_space<vmem>>) target(%dma_start3A_31 : memref<128x128xf32, #tpu.memory_space<vmem_shared>>) target_semaphore(%run_scoped3A : memref<!tpu.dma_semaphore, #tpu.memory_space<semaphore_mem>>)
      %dma_wait3A = arith.constant 0 : i32
      %dma_wait3A_32 = tpu.memref_slice %arg7[%add3A_10, %dma_wait3A] : memref<10240x128xf32, #tpu.memory_space<vmem_shared>> -> memref<128x128xf32, #tpu.memory_space<vmem_shared>>
      %dma_wait3A_33 = arith.constant 0 : i32
      %dma_wait3A_34 = tpu.memref_slice %arg7[%add3A_10, %dma_wait3A_33] : memref<10240x128xf32, #tpu.memory_space<vmem_shared>> -> memref<128x128xf32, #tpu.memory_space<vmem_shared>>
      tpu.wait_dma2 semaphore(%run_scoped3A : memref<!tpu.dma_semaphore, #tpu.memory_space<semaphore_mem>>) src(%arg11 : memref<128x128xf32, #tpu.memory_space<vmem>>) dst(%dma_wait3A_34 : memref<128x128xf32, #tpu.memory_space<vmem_shared>>)
      tpu.yield
    }) : () -> ()
    %add3A_11 = arith.constant 512 : i32
    %add3A_12 = arith.addi %multiple_of3A, %add3A_11 : i32
    "tpu.region"() ({
      %run_scoped3A = tpu.sem_alloc : memref<!tpu.dma_semaphore, #tpu.memory_space<semaphore_mem>>
      %dma_start3A = arith.constant 0 : i32
      %dma_start3A_29 = tpu.memref_slice %arg7[%add3A_12, %dma_start3A] : memref<10240x128xf32, #tpu.memory_space<vmem_shared>> -> memref<128x128xf32, #tpu.memory_space<vmem_shared>>
      %dma_start3A_30 = arith.constant 0 : i32
      %dma_start3A_31 = tpu.memref_slice %arg7[%add3A_12, %dma_start3A_30] : memref<10240x128xf32, #tpu.memory_space<vmem_shared>> -> memref<128x128xf32, #tpu.memory_space<vmem_shared>>
      tpu.enqueue_dma source(%arg11 : memref<128x128xf32, #tpu.memory_space<vmem>>) target(%dma_start3A_31 : memref<128x128xf32, #tpu.memory_space<vmem_shared>>) target_semaphore(%run_scoped3A : memref<!tpu.dma_semaphore, #tpu.memory_space<semaphore_mem>>)
      %dma_wait3A = arith.constant 0 : i32
      %dma_wait3A_32 = tpu.memref_slice %arg7[%add3A_12, %dma_wait3A] : memref<10240x128xf32, #tpu.memory_space<vmem_shared>> -> memref<128x128xf32, #tpu.memory_space<vmem_shared>>
      %dma_wait3A_33 = arith.constant 0 : i32
      %dma_wait3A_34 = tpu.memref_slice %arg7[%add3A_12, %dma_wait3A_33] : memref<10240x128xf32, #tpu.memory_space<vmem_shared>> -> memref<128x128xf32, #tpu.memory_space<vmem_shared>>
      tpu.wait_dma2 semaphore(%run_scoped3A : memref<!tpu.dma_semaphore, #tpu.memory_space<semaphore_mem>>) src(%arg11 : memref<128x128xf32, #tpu.memory_space<vmem>>) dst(%dma_wait3A_34 : memref<128x128xf32, #tpu.memory_space<vmem_shared>>)
      tpu.yield
    }) : () -> ()
    %barrier3A = arith.constant 0 : index
    tpu.barrier barrier_id(%barrier3A)
    %scan3A = arith.constant 0 : i32
    %scan3A_13 = arith.constant 0 : i32
    %scan3A_14 = arith.constant 100 : i32
    %scan3A_15 = arith.addi %scan3A_13, %scan3A_14 : i32
    %scan3A_16 = arith.constant 1 : i32
    scf.for %scan3A_29 = %scan3A_13 to %scan3A_15 step %scan3A_16  : i32 {
      "tpu.region"() ({
        %run_scoped3A_31 = tpu.sem_alloc : memref<!tpu.dma_semaphore, #tpu.memory_space<semaphore_mem>>
        %dma_start3A = arith.constant 0 : i32
        %dma_start3A_32 = arith.constant 0 : i32
        %dma_start3A_33 = tpu.memref_slice %arg3[%add3A, %scan3A_29, %dma_start3A, %dma_start3A_32] : memref<32x100x1x100xi32, #tpu.memory_space<hbm>> -> memref<1x1x1x100xi32, #tpu.memory_space<hbm>>
        %dma_start3A_34 = tpu.memref_squeeze %dma_start3A_33 : memref<1x1x1x100xi32, #tpu.memory_space<hbm>> -> memref<1x100xi32, #tpu.memory_space<hbm>>
        %dma_start3A_35 = arith.constant 0 : i32
        %dma_start3A_36 = arith.constant 0 : i32
        %dma_start3A_37 = tpu.memref_slice %arg3[%add3A, %scan3A_29, %dma_start3A_35, %dma_start3A_36] : memref<32x100x1x100xi32, #tpu.memory_space<hbm>> -> memref<1x1x1x100xi32, #tpu.memory_space<hbm>>
        %dma_start3A_38 = tpu.memref_squeeze %dma_start3A_37 : memref<1x1x1x100xi32, #tpu.memory_space<hbm>> -> memref<1x100xi32, #tpu.memory_space<hbm>>
        tpu.enqueue_dma source(%dma_start3A_38 : memref<1x100xi32, #tpu.memory_space<hbm>>) target(%arg8 : memref<1x100xi32, #tpu.memory_space<vmem>>) target_semaphore(%run_scoped3A_31 : memref<!tpu.dma_semaphore, #tpu.memory_space<semaphore_mem>>)
        %dma_wait3A = arith.constant 0 : i32
        %dma_wait3A_39 = arith.constant 0 : i32
        %dma_wait3A_40 = tpu.memref_slice %arg3[%add3A, %scan3A_29, %dma_wait3A, %dma_wait3A_39] : memref<32x100x1x100xi32, #tpu.memory_space<hbm>> -> memref<1x1x1x100xi32, #tpu.memory_space<hbm>>
        %dma_wait3A_41 = tpu.memref_squeeze %dma_wait3A_40 : memref<1x1x1x100xi32, #tpu.memory_space<hbm>> -> memref<1x100xi32, #tpu.memory_space<hbm>>
        %dma_wait3A_42 = arith.constant 0 : i32
        %dma_wait3A_43 = arith.constant 0 : i32
        %dma_wait3A_44 = tpu.memref_slice %arg3[%add3A, %scan3A_29, %dma_wait3A_42, %dma_wait3A_43] : memref<32x100x1x100xi32, #tpu.memory_space<hbm>> -> memref<1x1x1x100xi32, #tpu.memory_space<hbm>>
        %dma_wait3A_45 = tpu.memref_squeeze %dma_wait3A_44 : memref<1x1x1x100xi32, #tpu.memory_space<hbm>> -> memref<1x100xi32, #tpu.memory_space<hbm>>
        tpu.wait_dma2 semaphore(%run_scoped3A_31 : memref<!tpu.dma_semaphore, #tpu.memory_space<semaphore_mem>>) src(%dma_wait3A_45 : memref<1x100xi32, #tpu.memory_space<hbm>>) dst(%arg8 : memref<1x100xi32, #tpu.memory_space<vmem>>)
        tpu.yield
      }) : () -> ()
      "tpu.region"() ({
        %run_scoped3A_31 = tpu.sem_alloc : memref<!tpu.dma_semaphore, #tpu.memory_space<semaphore_mem>>
        %dma_start3A = arith.constant 0 : i32
        %dma_start3A_32 = arith.constant 0 : i32
        %dma_start3A_33 = tpu.memref_slice %arg4[%add3A, %scan3A_29, %dma_start3A, %dma_start3A_32] : memref<32x100x1x100xi32, #tpu.memory_space<hbm>> -> memref<1x1x1x100xi32, #tpu.memory_space<hbm>>
        %dma_start3A_34 = tpu.memref_squeeze %dma_start3A_33 : memref<1x1x1x100xi32, #tpu.memory_space<hbm>> -> memref<1x100xi32, #tpu.memory_space<hbm>>
        %dma_start3A_35 = arith.constant 0 : i32
        %dma_start3A_36 = arith.constant 0 : i32
        %dma_start3A_37 = tpu.memref_slice %arg4[%add3A, %scan3A_29, %dma_start3A_35, %dma_start3A_36] : memref<32x100x1x100xi32, #tpu.memory_space<hbm>> -> memref<1x1x1x100xi32, #tpu.memory_space<hbm>>
        %dma_start3A_38 = tpu.memref_squeeze %dma_start3A_37 : memref<1x1x1x100xi32, #tpu.memory_space<hbm>> -> memref<1x100xi32, #tpu.memory_space<hbm>>
        tpu.enqueue_dma source(%dma_start3A_38 : memref<1x100xi32, #tpu.memory_space<hbm>>) target(%arg9 : memref<1x100xi32, #tpu.memory_space<vmem>>) target_semaphore(%run_scoped3A_31 : memref<!tpu.dma_semaphore, #tpu.memory_space<semaphore_mem>>)
        %dma_wait3A = arith.constant 0 : i32
        %dma_wait3A_39 = arith.constant 0 : i32
        %dma_wait3A_40 = tpu.memref_slice %arg4[%add3A, %scan3A_29, %dma_wait3A, %dma_wait3A_39] : memref<32x100x1x100xi32, #tpu.memory_space<hbm>> -> memref<1x1x1x100xi32, #tpu.memory_space<hbm>>
        %dma_wait3A_41 = tpu.memref_squeeze %dma_wait3A_40 : memref<1x1x1x100xi32, #tpu.memory_space<hbm>> -> memref<1x100xi32, #tpu.memory_space<hbm>>
        %dma_wait3A_42 = arith.constant 0 : i32
        %dma_wait3A_43 = arith.constant 0 : i32
        %dma_wait3A_44 = tpu.memref_slice %arg4[%add3A, %scan3A_29, %dma_wait3A_42, %dma_wait3A_43] : memref<32x100x1x100xi32, #tpu.memory_space<hbm>> -> memref<1x1x1x100xi32, #tpu.memory_space<hbm>>
        %dma_wait3A_45 = tpu.memref_squeeze %dma_wait3A_44 : memref<1x1x1x100xi32, #tpu.memory_space<hbm>> -> memref<1x100xi32, #tpu.memory_space<hbm>>
        tpu.wait_dma2 semaphore(%run_scoped3A_31 : memref<!tpu.dma_semaphore, #tpu.memory_space<semaphore_mem>>) src(%dma_wait3A_45 : memref<1x100xi32, #tpu.memory_space<hbm>>) dst(%arg9 : memref<1x100xi32, #tpu.memory_space<vmem>>)
        tpu.yield
      }) : () -> ()
      %run_scoped3A = arith.constant 0 : i32
      "tpu.region"() ({
        %run_scoped3A_31 = tpu.sem_alloc : memref<!tpu.dma_semaphore, #tpu.memory_space<semaphore_mem>>
        %dma_start3A = arith.constant 0 : i32
        %dma_start3A_32 = tpu.memref_slice %arg8[%run_scoped3A, %dma_start3A] : memref<1x100xi32, #tpu.memory_space<vmem>> -> memref<1x100xi32, #tpu.memory_space<vmem>>
        %dma_start3A_33 = tpu.memref_squeeze %dma_start3A_32 : memref<1x100xi32, #tpu.memory_space<vmem>> -> memref<100xi32, #tpu.memory_space<vmem>>
        %dma_start3A_34 = arith.constant 0 : i32
        %dma_start3A_35 = arith.constant 0 : i32
        %dma_start3A_36 = tpu.memref_slice %arg2[%dma_start3A_34, %dma_start3A_35] : memref<10000x128xf32, #tpu.memory_space<hbm>> -> memref<10000x128xf32, #tpu.memory_space<hbm>>
        tpu.enqueue_indirect_dma source(%dma_start3A_36 : memref<10000x128xf32, #tpu.memory_space<hbm>>) target(%arg10 : memref<100x128xf32, #tpu.memory_space<vmem>>) offsets(%dma_start3A_33 : memref<100xi32, #tpu.memory_space<vmem>>) semaphore(%run_scoped3A_31 : memref<!tpu.dma_semaphore, #tpu.memory_space<semaphore_mem>>)
        %dma_wait3A = arith.constant 0 : i32
        %dma_wait3A_37 = tpu.memref_slice %arg8[%run_scoped3A, %dma_wait3A] : memref<1x100xi32, #tpu.memory_space<vmem>> -> memref<1x100xi32, #tpu.memory_space<vmem>>
        %dma_wait3A_38 = tpu.memref_squeeze %dma_wait3A_37 : memref<1x100xi32, #tpu.memory_space<vmem>> -> memref<100xi32, #tpu.memory_space<vmem>>
        %dma_wait3A_39 = arith.constant 0 : i32
        %dma_wait3A_40 = arith.constant 0 : i32
        %dma_wait3A_41 = tpu.memref_slice %arg2[%dma_wait3A_39, %dma_wait3A_40] : memref<10000x128xf32, #tpu.memory_space<hbm>> -> memref<10000x128xf32, #tpu.memory_space<hbm>>
        tpu.wait_indirect_dma semaphore(%run_scoped3A_31 : memref<!tpu.dma_semaphore, #tpu.memory_space<semaphore_mem>>) src(%dma_wait3A_41 : memref<10000x128xf32, #tpu.memory_space<hbm>>) dst(%arg10 : memref<100x128xf32, #tpu.memory_space<vmem>>)
        tpu.yield
      }) : () -> ()
      %run_scoped3A_30 = arith.constant 0 : i32
      "tpu.region"() ({
        %run_scoped3A_31 = tpu.sem_alloc : memref<!tpu.dma_semaphore, #tpu.memory_space<semaphore_mem>>
        %dma_start3A = arith.constant 0 : i32
        %dma_start3A_32 = tpu.memref_slice %arg9[%run_scoped3A_30, %dma_start3A] : memref<1x100xi32, #tpu.memory_space<vmem>> -> memref<1x100xi32, #tpu.memory_space<vmem>>
        %dma_start3A_33 = tpu.memref_squeeze %dma_start3A_32 : memref<1x100xi32, #tpu.memory_space<vmem>> -> memref<100xi32, #tpu.memory_space<vmem>>
        %dma_start3A_34 = arith.constant 0 : i32
        %dma_start3A_35 = arith.constant 0 : i32
        %dma_start3A_36 = tpu.memref_slice %arg7[%dma_start3A_34, %dma_start3A_35] : memref<10240x128xf32, #tpu.memory_space<vmem_shared>> -> memref<10240x128xf32, #tpu.memory_space<vmem_shared>>
        tpu.enqueue_indirect_dma source(%arg10 : memref<100x128xf32, #tpu.memory_space<vmem>>) target(%dma_start3A_36 : memref<10240x128xf32, #tpu.memory_space<vmem_shared>>) offsets(%dma_start3A_33 : memref<100xi32, #tpu.memory_space<vmem>>) semaphore(%run_scoped3A_31 : memref<!tpu.dma_semaphore, #tpu.memory_space<semaphore_mem>>) {add = true}
        %dma_wait3A = arith.constant 0 : i32
        %dma_wait3A_37 = tpu.memref_slice %arg9[%run_scoped3A_30, %dma_wait3A] : memref<1x100xi32, #tpu.memory_space<vmem>> -> memref<1x100xi32, #tpu.memory_space<vmem>>
        %dma_wait3A_38 = tpu.memref_squeeze %dma_wait3A_37 : memref<1x100xi32, #tpu.memory_space<vmem>> -> memref<100xi32, #tpu.memory_space<vmem>>
        %dma_wait3A_39 = arith.constant 0 : i32
        %dma_wait3A_40 = arith.constant 0 : i32
        %dma_wait3A_41 = tpu.memref_slice %arg7[%dma_wait3A_39, %dma_wait3A_40] : memref<10240x128xf32, #tpu.memory_space<vmem_shared>> -> memref<10240x128xf32, #tpu.memory_space<vmem_shared>>
        tpu.wait_indirect_dma semaphore(%run_scoped3A_31 : memref<!tpu.dma_semaphore, #tpu.memory_space<semaphore_mem>>) src(%arg10 : memref<100x128xf32, #tpu.memory_space<vmem>>) dst(%dma_wait3A_41 : memref<10240x128xf32, #tpu.memory_space<vmem_shared>>)
        tpu.yield
      }) : () -> ()
    }
    %scan3A_17 = arith.constant 100 : i32
    %barrier3A_18 = arith.constant 0 : index
    tpu.barrier barrier_id(%barrier3A_18)
    %add3A_19 = arith.constant 0 : i32
    %add3A_20 = arith.addi %multiple_of3A, %add3A_19 : i32
    "tpu.region"() ({
      %run_scoped3A = tpu.sem_alloc : memref<!tpu.dma_semaphore, #tpu.memory_space<semaphore_mem>>
      %dma_start3A = arith.constant 0 : i32
      %dma_start3A_29 = tpu.memref_slice %arg7[%add3A_20, %dma_start3A] : memref<10240x128xf32, #tpu.memory_space<vmem_shared>> -> memref<128x128xf32, #tpu.memory_space<vmem_shared>>
      %dma_start3A_30 = arith.constant 0 : i32
      %dma_start3A_31 = tpu.memref_slice %arg7[%add3A_20, %dma_start3A_30] : memref<10240x128xf32, #tpu.memory_space<vmem_shared>> -> memref<128x128xf32, #tpu.memory_space<vmem_shared>>
      tpu.enqueue_dma source(%dma_start3A_31 : memref<128x128xf32, #tpu.memory_space<vmem_shared>>) target(%arg11 : memref<128x128xf32, #tpu.memory_space<vmem>>) target_semaphore(%run_scoped3A : memref<!tpu.dma_semaphore, #tpu.memory_space<semaphore_mem>>)
      %dma_wait3A = arith.constant 0 : i32
      %dma_wait3A_32 = tpu.memref_slice %arg7[%add3A_20, %dma_wait3A] : memref<10240x128xf32, #tpu.memory_space<vmem_shared>> -> memref<128x128xf32, #tpu.memory_space<vmem_shared>>
      %dma_wait3A_33 = arith.constant 0 : i32
      %dma_wait3A_34 = tpu.memref_slice %arg7[%add3A_20, %dma_wait3A_33] : memref<10240x128xf32, #tpu.memory_space<vmem_shared>> -> memref<128x128xf32, #tpu.memory_space<vmem_shared>>
      tpu.wait_dma2 semaphore(%run_scoped3A : memref<!tpu.dma_semaphore, #tpu.memory_space<semaphore_mem>>) src(%dma_wait3A_34 : memref<128x128xf32, #tpu.memory_space<vmem_shared>>) dst(%arg11 : memref<128x128xf32, #tpu.memory_space<vmem>>)
      tpu.yield
    }) : () -> ()
    "tpu.region"() ({
      %run_scoped3A = tpu.sem_alloc : memref<!tpu.dma_semaphore, #tpu.memory_space<semaphore_mem>>
      %dma_start3A = arith.constant 0 : i32
      %dma_start3A_29 = tpu.memref_slice %arg6[%arg0, %add3A_20, %dma_start3A] : memref<2x10240x128xf32, #tpu.memory_space<hbm>> -> memref<1x128x128xf32, #tpu.memory_space<hbm>>
      %dma_start3A_30 = tpu.memref_squeeze %dma_start3A_29 : memref<1x128x128xf32, #tpu.memory_space<hbm>> -> memref<128x128xf32, #tpu.memory_space<hbm>>
      %dma_start3A_31 = arith.constant 0 : i32
      %dma_start3A_32 = tpu.memref_slice %arg6[%arg0, %add3A_20, %dma_start3A_31] : memref<2x10240x128xf32, #tpu.memory_space<hbm>> -> memref<1x128x128xf32, #tpu.memory_space<hbm>>
      %dma_start3A_33 = tpu.memref_squeeze %dma_start3A_32 : memref<1x128x128xf32, #tpu.memory_space<hbm>> -> memref<128x128xf32, #tpu.memory_space<hbm>>
      tpu.enqueue_dma source(%arg11 : memref<128x128xf32, #tpu.memory_space<vmem>>) target(%dma_start3A_33 : memref<128x128xf32, #tpu.memory_space<hbm>>) target_semaphore(%run_scoped3A : memref<!tpu.dma_semaphore, #tpu.memory_space<semaphore_mem>>)
      %dma_wait3A = arith.constant 0 : i32
      %dma_wait3A_34 = tpu.memref_slice %arg6[%arg0, %add3A_20, %dma_wait3A] : memref<2x10240x128xf32, #tpu.memory_space<hbm>> -> memref<1x128x128xf32, #tpu.memory_space<hbm>>
      %dma_wait3A_35 = tpu.memref_squeeze %dma_wait3A_34 : memref<1x128x128xf32, #tpu.memory_space<hbm>> -> memref<128x128xf32, #tpu.memory_space<hbm>>
      %dma_wait3A_36 = arith.constant 0 : i32
      %dma_wait3A_37 = tpu.memref_slice %arg6[%arg0, %add3A_20, %dma_wait3A_36] : memref<2x10240x128xf32, #tpu.memory_space<hbm>> -> memref<1x128x128xf32, #tpu.memory_space<hbm>>
      %dma_wait3A_38 = tpu.memref_squeeze %dma_wait3A_37 : memref<1x128x128xf32, #tpu.memory_space<hbm>> -> memref<128x128xf32, #tpu.memory_space<hbm>>
      tpu.wait_dma2 semaphore(%run_scoped3A : memref<!tpu.dma_semaphore, #tpu.memory_space<semaphore_mem>>) src(%arg11 : memref<128x128xf32, #tpu.memory_space<vmem>>) dst(%dma_wait3A_38 : memref<128x128xf32, #tpu.memory_space<hbm>>)
      tpu.yield
    }) : () -> ()
    %add3A_21 = arith.constant 128 : i32
    %add3A_22 = arith.addi %multiple_of3A, %add3A_21 : i32
    "tpu.region"() ({
      %run_scoped3A = tpu.sem_alloc : memref<!tpu.dma_semaphore, #tpu.memory_space<semaphore_mem>>
      %dma_start3A = arith.constant 0 : i32
      %dma_start3A_29 = tpu.memref_slice %arg7[%add3A_22, %dma_start3A] : memref<10240x128xf32, #tpu.memory_space<vmem_shared>> -> memref<128x128xf32, #tpu.memory_space<vmem_shared>>
      %dma_start3A_30 = arith.constant 0 : i32
      %dma_start3A_31 = tpu.memref_slice %arg7[%add3A_22, %dma_start3A_30] : memref<10240x128xf32, #tpu.memory_space<vmem_shared>> -> memref<128x128xf32, #tpu.memory_space<vmem_shared>>
      tpu.enqueue_dma source(%dma_start3A_31 : memref<128x128xf32, #tpu.memory_space<vmem_shared>>) target(%arg11 : memref<128x128xf32, #tpu.memory_space<vmem>>) target_semaphore(%run_scoped3A : memref<!tpu.dma_semaphore, #tpu.memory_space<semaphore_mem>>)
      %dma_wait3A = arith.constant 0 : i32
      %dma_wait3A_32 = tpu.memref_slice %arg7[%add3A_22, %dma_wait3A] : memref<10240x128xf32, #tpu.memory_space<vmem_shared>> -> memref<128x128xf32, #tpu.memory_space<vmem_shared>>
      %dma_wait3A_33 = arith.constant 0 : i32
      %dma_wait3A_34 = tpu.memref_slice %arg7[%add3A_22, %dma_wait3A_33] : memref<10240x128xf32, #tpu.memory_space<vmem_shared>> -> memref<128x128xf32, #tpu.memory_space<vmem_shared>>
      tpu.wait_dma2 semaphore(%run_scoped3A : memref<!tpu.dma_semaphore, #tpu.memory_space<semaphore_mem>>) src(%dma_wait3A_34 : memref<128x128xf32, #tpu.memory_space<vmem_shared>>) dst(%arg11 : memref<128x128xf32, #tpu.memory_space<vmem>>)
      tpu.yield
    }) : () -> ()
    "tpu.region"() ({
      %run_scoped3A = tpu.sem_alloc : memref<!tpu.dma_semaphore, #tpu.memory_space<semaphore_mem>>
      %dma_start3A = arith.constant 0 : i32
      %dma_start3A_29 = tpu.memref_slice %arg6[%arg0, %add3A_22, %dma_start3A] : memref<2x10240x128xf32, #tpu.memory_space<hbm>> -> memref<1x128x128xf32, #tpu.memory_space<hbm>>
      %dma_start3A_30 = tpu.memref_squeeze %dma_start3A_29 : memref<1x128x128xf32, #tpu.memory_space<hbm>> -> memref<128x128xf32, #tpu.memory_space<hbm>>
      %dma_start3A_31 = arith.constant 0 : i32
      %dma_start3A_32 = tpu.memref_slice %arg6[%arg0, %add3A_22, %dma_start3A_31] : memref<2x10240x128xf32, #tpu.memory_space<hbm>> -> memref<1x128x128xf32, #tpu.memory_space<hbm>>
      %dma_start3A_33 = tpu.memref_squeeze %dma_start3A_32 : memref<1x128x128xf32, #tpu.memory_space<hbm>> -> memref<128x128xf32, #tpu.memory_space<hbm>>
      tpu.enqueue_dma source(%arg11 : memref<128x128xf32, #tpu.memory_space<vmem>>) target(%dma_start3A_33 : memref<128x128xf32, #tpu.memory_space<hbm>>) target_semaphore(%run_scoped3A : memref<!tpu.dma_semaphore, #tpu.memory_space<semaphore_mem>>)
      %dma_wait3A = arith.constant 0 : i32
      %dma_wait3A_34 = tpu.memref_slice %arg6[%arg0, %add3A_22, %dma_wait3A] : memref<2x10240x128xf32, #tpu.memory_space<hbm>> -> memref<1x128x128xf32, #tpu.memory_space<hbm>>
      %dma_wait3A_35 = tpu.memref_squeeze %dma_wait3A_34 : memref<1x128x128xf32, #tpu.memory_space<hbm>> -> memref<128x128xf32, #tpu.memory_space<hbm>>
      %dma_wait3A_36 = arith.constant 0 : i32
      %dma_wait3A_37 = tpu.memref_slice %arg6[%arg0, %add3A_22, %dma_wait3A_36] : memref<2x10240x128xf32, #tpu.memory_space<hbm>> -> memref<1x128x128xf32, #tpu.memory_space<hbm>>
      %dma_wait3A_38 = tpu.memref_squeeze %dma_wait3A_37 : memref<1x128x128xf32, #tpu.memory_space<hbm>> -> memref<128x128xf32, #tpu.memory_space<hbm>>
      tpu.wait_dma2 semaphore(%run_scoped3A : memref<!tpu.dma_semaphore, #tpu.memory_space<semaphore_mem>>) src(%arg11 : memref<128x128xf32, #tpu.memory_space<vmem>>) dst(%dma_wait3A_38 : memref<128x128xf32, #tpu.memory_space<hbm>>)
      tpu.yield
    }) : () -> ()
    %add3A_23 = arith.constant 256 : i32
    %add3A_24 = arith.addi %multiple_of3A, %add3A_23 : i32
    "tpu.region"() ({
      %run_scoped3A = tpu.sem_alloc : memref<!tpu.dma_semaphore, #tpu.memory_space<semaphore_mem>>
      %dma_start3A = arith.constant 0 : i32
      %dma_start3A_29 = tpu.memref_slice %arg7[%add3A_24, %dma_start3A] : memref<10240x128xf32, #tpu.memory_space<vmem_shared>> -> memref<128x128xf32, #tpu.memory_space<vmem_shared>>
      %dma_start3A_30 = arith.constant 0 : i32
      %dma_start3A_31 = tpu.memref_slice %arg7[%add3A_24, %dma_start3A_30] : memref<10240x128xf32, #tpu.memory_space<vmem_shared>> -> memref<128x128xf32, #tpu.memory_space<vmem_shared>>
      tpu.enqueue_dma source(%dma_start3A_31 : memref<128x128xf32, #tpu.memory_space<vmem_shared>>) target(%arg11 : memref<128x128xf32, #tpu.memory_space<vmem>>) target_semaphore(%run_scoped3A : memref<!tpu.dma_semaphore, #tpu.memory_space<semaphore_mem>>)
      %dma_wait3A = arith.constant 0 : i32
      %dma_wait3A_32 = tpu.memref_slice %arg7[%add3A_24, %dma_wait3A] : memref<10240x128xf32, #tpu.memory_space<vmem_shared>> -> memref<128x128xf32, #tpu.memory_space<vmem_shared>>
      %dma_wait3A_33 = arith.constant 0 : i32
      %dma_wait3A_34 = tpu.memref_slice %arg7[%add3A_24, %dma_wait3A_33] : memref<10240x128xf32, #tpu.memory_space<vmem_shared>> -> memref<128x128xf32, #tpu.memory_space<vmem_shared>>
      tpu.wait_dma2 semaphore(%run_scoped3A : memref<!tpu.dma_semaphore, #tpu.memory_space<semaphore_mem>>) src(%dma_wait3A_34 : memref<128x128xf32, #tpu.memory_space<vmem_shared>>) dst(%arg11 : memref<128x128xf32, #tpu.memory_space<vmem>>)
      tpu.yield
    }) : () -> ()
    "tpu.region"() ({
      %run_scoped3A = tpu.sem_alloc : memref<!tpu.dma_semaphore, #tpu.memory_space<semaphore_mem>>
      %dma_start3A = arith.constant 0 : i32
      %dma_start3A_29 = tpu.memref_slice %arg6[%arg0, %add3A_24, %dma_start3A] : memref<2x10240x128xf32, #tpu.memory_space<hbm>> -> memref<1x128x128xf32, #tpu.memory_space<hbm>>
      %dma_start3A_30 = tpu.memref_squeeze %dma_start3A_29 : memref<1x128x128xf32, #tpu.memory_space<hbm>> -> memref<128x128xf32, #tpu.memory_space<hbm>>
      %dma_start3A_31 = arith.constant 0 : i32
      %dma_start3A_32 = tpu.memref_slice %arg6[%arg0, %add3A_24, %dma_start3A_31] : memref<2x10240x128xf32, #tpu.memory_space<hbm>> -> memref<1x128x128xf32, #tpu.memory_space<hbm>>
      %dma_start3A_33 = tpu.memref_squeeze %dma_start3A_32 : memref<1x128x128xf32, #tpu.memory_space<hbm>> -> memref<128x128xf32, #tpu.memory_space<hbm>>
      tpu.enqueue_dma source(%arg11 : memref<128x128xf32, #tpu.memory_space<vmem>>) target(%dma_start3A_33 : memref<128x128xf32, #tpu.memory_space<hbm>>) target_semaphore(%run_scoped3A : memref<!tpu.dma_semaphore, #tpu.memory_space<semaphore_mem>>)
      %dma_wait3A = arith.constant 0 : i32
      %dma_wait3A_34 = tpu.memref_slice %arg6[%arg0, %add3A_24, %dma_wait3A] : memref<2x10240x128xf32, #tpu.memory_space<hbm>> -> memref<1x128x128xf32, #tpu.memory_space<hbm>>
      %dma_wait3A_35 = tpu.memref_squeeze %dma_wait3A_34 : memref<1x128x128xf32, #tpu.memory_space<hbm>> -> memref<128x128xf32, #tpu.memory_space<hbm>>
      %dma_wait3A_36 = arith.constant 0 : i32
      %dma_wait3A_37 = tpu.memref_slice %arg6[%arg0, %add3A_24, %dma_wait3A_36] : memref<2x10240x128xf32, #tpu.memory_space<hbm>> -> memref<1x128x128xf32, #tpu.memory_space<hbm>>
      %dma_wait3A_38 = tpu.memref_squeeze %dma_wait3A_37 : memref<1x128x128xf32, #tpu.memory_space<hbm>> -> memref<128x128xf32, #tpu.memory_space<hbm>>
      tpu.wait_dma2 semaphore(%run_scoped3A : memref<!tpu.dma_semaphore, #tpu.memory_space<semaphore_mem>>) src(%arg11 : memref<128x128xf32, #tpu.memory_space<vmem>>) dst(%dma_wait3A_38 : memref<128x128xf32, #tpu.memory_space<hbm>>)
      tpu.yield
    }) : () -> ()
    %add3A_25 = arith.constant 384 : i32
    %add3A_26 = arith.addi %multiple_of3A, %add3A_25 : i32
    "tpu.region"() ({
      %run_scoped3A = tpu.sem_alloc : memref<!tpu.dma_semaphore, #tpu.memory_space<semaphore_mem>>
      %dma_start3A = arith.constant 0 : i32
      %dma_start3A_29 = tpu.memref_slice %arg7[%add3A_26, %dma_start3A] : memref<10240x128xf32, #tpu.memory_space<vmem_shared>> -> memref<128x128xf32, #tpu.memory_space<vmem_shared>>
      %dma_start3A_30 = arith.constant 0 : i32
      %dma_start3A_31 = tpu.memref_slice %arg7[%add3A_26, %dma_start3A_30] : memref<10240x128xf32, #tpu.memory_space<vmem_shared>> -> memref<128x128xf32, #tpu.memory_space<vmem_shared>>
      tpu.enqueue_dma source(%dma_start3A_31 : memref<128x128xf32, #tpu.memory_space<vmem_shared>>) target(%arg11 : memref<128x128xf32, #tpu.memory_space<vmem>>) target_semaphore(%run_scoped3A : memref<!tpu.dma_semaphore, #tpu.memory_space<semaphore_mem>>)
      %dma_wait3A = arith.constant 0 : i32
      %dma_wait3A_32 = tpu.memref_slice %arg7[%add3A_26, %dma_wait3A] : memref<10240x128xf32, #tpu.memory_space<vmem_shared>> -> memref<128x128xf32, #tpu.memory_space<vmem_shared>>
      %dma_wait3A_33 = arith.constant 0 : i32
      %dma_wait3A_34 = tpu.memref_slice %arg7[%add3A_26, %dma_wait3A_33] : memref<10240x128xf32, #tpu.memory_space<vmem_shared>> -> memref<128x128xf32, #tpu.memory_space<vmem_shared>>
      tpu.wait_dma2 semaphore(%run_scoped3A : memref<!tpu.dma_semaphore, #tpu.memory_space<semaphore_mem>>) src(%dma_wait3A_34 : memref<128x128xf32, #tpu.memory_space<vmem_shared>>) dst(%arg11 : memref<128x128xf32, #tpu.memory_space<vmem>>)
      tpu.yield
    }) : () -> ()
    "tpu.region"() ({
      %run_scoped3A = tpu.sem_alloc : memref<!tpu.dma_semaphore, #tpu.memory_space<semaphore_mem>>
      %dma_start3A = arith.constant 0 : i32
      %dma_start3A_29 = tpu.memref_slice %arg6[%arg0, %add3A_26, %dma_start3A] : memref<2x10240x128xf32, #tpu.memory_space<hbm>> -> memref<1x128x128xf32, #tpu.memory_space<hbm>>
      %dma_start3A_30 = tpu.memref_squeeze %dma_start3A_29 : memref<1x128x128xf32, #tpu.memory_space<hbm>> -> memref<128x128xf32, #tpu.memory_space<hbm>>
      %dma_start3A_31 = arith.constant 0 : i32
      %dma_start3A_32 = tpu.memref_slice %arg6[%arg0, %add3A_26, %dma_start3A_31] : memref<2x10240x128xf32, #tpu.memory_space<hbm>> -> memref<1x128x128xf32, #tpu.memory_space<hbm>>
      %dma_start3A_33 = tpu.memref_squeeze %dma_start3A_32 : memref<1x128x128xf32, #tpu.memory_space<hbm>> -> memref<128x128xf32, #tpu.memory_space<hbm>>
      tpu.enqueue_dma source(%arg11 : memref<128x128xf32, #tpu.memory_space<vmem>>) target(%dma_start3A_33 : memref<128x128xf32, #tpu.memory_space<hbm>>) target_semaphore(%run_scoped3A : memref<!tpu.dma_semaphore, #tpu.memory_space<semaphore_mem>>)
      %dma_wait3A = arith.constant 0 : i32
      %dma_wait3A_34 = tpu.memref_slice %arg6[%arg0, %add3A_26, %dma_wait3A] : memref<2x10240x128xf32, #tpu.memory_space<hbm>> -> memref<1x128x128xf32, #tpu.memory_space<hbm>>
      %dma_wait3A_35 = tpu.memref_squeeze %dma_wait3A_34 : memref<1x128x128xf32, #tpu.memory_space<hbm>> -> memref<128x128xf32, #tpu.memory_space<hbm>>
      %dma_wait3A_36 = arith.constant 0 : i32
      %dma_wait3A_37 = tpu.memref_slice %arg6[%arg0, %add3A_26, %dma_wait3A_36] : memref<2x10240x128xf32, #tpu.memory_space<hbm>> -> memref<1x128x128xf32, #tpu.memory_space<hbm>>
      %dma_wait3A_38 = tpu.memref_squeeze %dma_wait3A_37 : memref<1x128x128xf32, #tpu.memory_space<hbm>> -> memref<128x128xf32, #tpu.memory_space<hbm>>
      tpu.wait_dma2 semaphore(%run_scoped3A : memref<!tpu.dma_semaphore, #tpu.memory_space<semaphore_mem>>) src(%arg11 : memref<128x128xf32, #tpu.memory_space<vmem>>) dst(%dma_wait3A_38 : memref<128x128xf32, #tpu.memory_space<hbm>>)
      tpu.yield
    }) : () -> ()
    %add3A_27 = arith.constant 512 : i32
    %add3A_28 = arith.addi %multiple_of3A, %add3A_27 : i32
    "tpu.region"() ({
      %run_scoped3A = tpu.sem_alloc : memref<!tpu.dma_semaphore, #tpu.memory_space<semaphore_mem>>
      %dma_start3A = arith.constant 0 : i32
      %dma_start3A_29 = tpu.memref_slice %arg7[%add3A_28, %dma_start3A] : memref<10240x128xf32, #tpu.memory_space<vmem_shared>> -> memref<128x128xf32, #tpu.memory_space<vmem_shared>>
      %dma_start3A_30 = arith.constant 0 : i32
      %dma_start3A_31 = tpu.memref_slice %arg7[%add3A_28, %dma_start3A_30] : memref<10240x128xf32, #tpu.memory_space<vmem_shared>> -> memref<128x128xf32, #tpu.memory_space<vmem_shared>>
      tpu.enqueue_dma source(%dma_start3A_31 : memref<128x128xf32, #tpu.memory_space<vmem_shared>>) target(%arg11 : memref<128x128xf32, #tpu.memory_space<vmem>>) target_semaphore(%run_scoped3A : memref<!tpu.dma_semaphore, #tpu.memory_space<semaphore_mem>>)
      %dma_wait3A = arith.constant 0 : i32
      %dma_wait3A_32 = tpu.memref_slice %arg7[%add3A_28, %dma_wait3A] : memref<10240x128xf32, #tpu.memory_space<vmem_shared>> -> memref<128x128xf32, #tpu.memory_space<vmem_shared>>
      %dma_wait3A_33 = arith.constant 0 : i32
      %dma_wait3A_34 = tpu.memref_slice %arg7[%add3A_28, %dma_wait3A_33] : memref<10240x128xf32, #tpu.memory_space<vmem_shared>> -> memref<128x128xf32, #tpu.memory_space<vmem_shared>>
      tpu.wait_dma2 semaphore(%run_scoped3A : memref<!tpu.dma_semaphore, #tpu.memory_space<semaphore_mem>>) src(%dma_wait3A_34 : memref<128x128xf32, #tpu.memory_space<vmem_shared>>) dst(%arg11 : memref<128x128xf32, #tpu.memory_space<vmem>>)
      tpu.yield
    }) : () -> ()
    "tpu.region"() ({
      %run_scoped3A = tpu.sem_alloc : memref<!tpu.dma_semaphore, #tpu.memory_space<semaphore_mem>>
      %dma_start3A = arith.constant 0 : i32
      %dma_start3A_29 = tpu.memref_slice %arg6[%arg0, %add3A_28, %dma_start3A] : memref<2x10240x128xf32, #tpu.memory_space<hbm>> -> memref<1x128x128xf32, #tpu.memory_space<hbm>>
      %dma_start3A_30 = tpu.memref_squeeze %dma_start3A_29 : memref<1x128x128xf32, #tpu.memory_space<hbm>> -> memref<128x128xf32, #tpu.memory_space<hbm>>
      %dma_start3A_31 = arith.constant 0 : i32
      %dma_start3A_32 = tpu.memref_slice %arg6[%arg0, %add3A_28, %dma_start3A_31] : memref<2x10240x128xf32, #tpu.memory_space<hbm>> -> memref<1x128x128xf32, #tpu.memory_space<hbm>>
      %dma_start3A_33 = tpu.memref_squeeze %dma_start3A_32 : memref<1x128x128xf32, #tpu.memory_space<hbm>> -> memref<128x128xf32, #tpu.memory_space<hbm>>
      tpu.enqueue_dma source(%arg11 : memref<128x128xf32, #tpu.memory_space<vmem>>) target(%dma_start3A_33 : memref<128x128xf32, #tpu.memory_space<hbm>>) target_semaphore(%run_scoped3A : memref<!tpu.dma_semaphore, #tpu.memory_space<semaphore_mem>>)
      %dma_wait3A = arith.constant 0 : i32
      %dma_wait3A_34 = tpu.memref_slice %arg6[%arg0, %add3A_28, %dma_wait3A] : memref<2x10240x128xf32, #tpu.memory_space<hbm>> -> memref<1x128x128xf32, #tpu.memory_space<hbm>>
      %dma_wait3A_35 = tpu.memref_squeeze %dma_wait3A_34 : memref<1x128x128xf32, #tpu.memory_space<hbm>> -> memref<128x128xf32, #tpu.memory_space<hbm>>
      %dma_wait3A_36 = arith.constant 0 : i32
      %dma_wait3A_37 = tpu.memref_slice %arg6[%arg0, %add3A_28, %dma_wait3A_36] : memref<2x10240x128xf32, #tpu.memory_space<hbm>> -> memref<1x128x128xf32, #tpu.memory_space<hbm>>
      %dma_wait3A_38 = tpu.memref_squeeze %dma_wait3A_37 : memref<1x128x128xf32, #tpu.memory_space<hbm>> -> memref<128x128xf32, #tpu.memory_space<hbm>>
      tpu.wait_dma2 semaphore(%run_scoped3A : memref<!tpu.dma_semaphore, #tpu.memory_space<semaphore_mem>>) src(%arg11 : memref<128x128xf32, #tpu.memory_space<vmem>>) dst(%dma_wait3A_38 : memref<128x128xf32, #tpu.memory_space<hbm>>)
      tpu.yield
    }) : () -> ()
    return
  }
}

#map = affine_map<(d0, d1) -> (0, 0)>
#map1 = affine_map<(d0, d1) -> (0, 0, 0, 0)>
#map2 = affine_map<(d0, d1) -> (0, 0, 0)>
module attributes {stable_mosaic.version = 14 : i64} {
  func.func @_edge_body(%arg0: i32, %arg1: i32, %arg2: memref<10000x128xf32, #tpu.memory_space<hbm>>, %arg3: memref<32x100x1x100xi32, #tpu.memory_space<hbm>>, %arg4: memref<32x100x1x100xi32, #tpu.memory_space<hbm>>, %arg5: memref<128x128xf32, #tpu.memory_space<hbm>>, %arg6: memref<128x16xf32, #tpu.memory_space<hbm>>, %arg7: memref<100x16xf32, #tpu.memory_space<hbm>>, %arg8: memref<2x10240x128xf32, #tpu.memory_space<hbm>>, %arg9: memref<2x10240x16xf32, #tpu.memory_space<hbm>>, %arg10: memref<10240x128xf32, #tpu.memory_space<vmem_shared>>, %arg11: memref<10240x16xf32, #tpu.memory_space<vmem_shared>>, %arg12: memref<1x100xi32, #tpu.memory_space<vmem>>, %arg13: memref<1x100xi32, #tpu.memory_space<vmem>>, %arg14: memref<100x128xf32, #tpu.memory_space<vmem>>, %arg15: memref<100x16xf32, #tpu.memory_space<vmem>>, %arg16: memref<128x128xf32, #tpu.memory_space<vmem>>, %arg17: memref<128x16xf32, #tpu.memory_space<vmem>>) attributes {dimension_semantics = [#tpu.dimension_semantics<core_parallel>, #tpu.dimension_semantics<subcore_parallel>], iteration_bounds = array<i64: 2, 16>, scalar_prefetch = 0 : i64, scratch_operands = 8 : i64, tpu.core_type = #tpu.core_type<sc_vector_subcore>, window_params = [{transform_indices = #map}, {transform_indices = #map1}, {transform_indices = #map1}, {transform_indices = #map}, {transform_indices = #map}, {transform_indices = #map}, {transform_indices = #map2}, {transform_indices = #map2}]} {
    %mul3A = arith.constant 16 : i32
    %mul3A_0 = arith.muli %arg0, %mul3A : i32
    %add3A = arith.addi %mul3A_0, %arg1 : i32
    %mul3A_1 = arith.constant 640 : i32
    %mul3A_2 = arith.muli %arg1, %mul3A_1 : i32
    %multiple_of3A = tpu.assume_multiple %mul3A_2, 8 : i32
    "tpu.region"() ({
      %run_scoped3A = tpu.sem_alloc : memref<!tpu.dma_semaphore, #tpu.memory_space<semaphore_mem>>
      tpu.enqueue_dma source(%arg5 : memref<128x128xf32, #tpu.memory_space<hbm>>) target(%arg16 : memref<128x128xf32, #tpu.memory_space<vmem>>) target_semaphore(%run_scoped3A : memref<!tpu.dma_semaphore, #tpu.memory_space<semaphore_mem>>)
      tpu.wait_dma2 semaphore(%run_scoped3A : memref<!tpu.dma_semaphore, #tpu.memory_space<semaphore_mem>>) src(%arg5 : memref<128x128xf32, #tpu.memory_space<hbm>>) dst(%arg16 : memref<128x128xf32, #tpu.memory_space<vmem>>)
      tpu.yield
    }) : () -> ()
    "tpu.region"() ({
      %run_scoped3A = tpu.sem_alloc : memref<!tpu.dma_semaphore, #tpu.memory_space<semaphore_mem>>
      tpu.enqueue_dma source(%arg6 : memref<128x16xf32, #tpu.memory_space<hbm>>) target(%arg17 : memref<128x16xf32, #tpu.memory_space<vmem>>) target_semaphore(%run_scoped3A : memref<!tpu.dma_semaphore, #tpu.memory_space<semaphore_mem>>)
      tpu.wait_dma2 semaphore(%run_scoped3A : memref<!tpu.dma_semaphore, #tpu.memory_space<semaphore_mem>>) src(%arg6 : memref<128x16xf32, #tpu.memory_space<hbm>>) dst(%arg17 : memref<128x16xf32, #tpu.memory_space<vmem>>)
      tpu.yield
    }) : () -> ()
    "tpu.region"() ({
      %run_scoped3A = tpu.sem_alloc : memref<!tpu.dma_semaphore, #tpu.memory_space<semaphore_mem>>
      tpu.enqueue_dma source(%arg7 : memref<100x16xf32, #tpu.memory_space<hbm>>) target(%arg15 : memref<100x16xf32, #tpu.memory_space<vmem>>) target_semaphore(%run_scoped3A : memref<!tpu.dma_semaphore, #tpu.memory_space<semaphore_mem>>)
      tpu.wait_dma2 semaphore(%run_scoped3A : memref<!tpu.dma_semaphore, #tpu.memory_space<semaphore_mem>>) src(%arg7 : memref<100x16xf32, #tpu.memory_space<hbm>>) dst(%arg15 : memref<100x16xf32, #tpu.memory_space<vmem>>)
      tpu.yield
    }) : () -> ()
    %add3A_3 = arith.constant 0 : i32
    %add3A_4 = arith.addi %multiple_of3A, %add3A_3 : i32
    "tpu.region"() ({
      %run_scoped3A = tpu.sem_alloc : memref<!tpu.dma_semaphore, #tpu.memory_space<semaphore_mem>>
      %dma_start3A = arith.constant 0 : i32
      %dma_start3A_39 = tpu.memref_slice %arg10[%add3A_4, %dma_start3A] : memref<10240x128xf32, #tpu.memory_space<vmem_shared>> -> memref<128x128xf32, #tpu.memory_space<vmem_shared>>
      %dma_start3A_40 = arith.constant 0 : i32
      %dma_start3A_41 = tpu.memref_slice %arg10[%add3A_4, %dma_start3A_40] : memref<10240x128xf32, #tpu.memory_space<vmem_shared>> -> memref<128x128xf32, #tpu.memory_space<vmem_shared>>
      tpu.enqueue_dma source(%arg16 : memref<128x128xf32, #tpu.memory_space<vmem>>) target(%dma_start3A_41 : memref<128x128xf32, #tpu.memory_space<vmem_shared>>) target_semaphore(%run_scoped3A : memref<!tpu.dma_semaphore, #tpu.memory_space<semaphore_mem>>)
      %dma_wait3A = arith.constant 0 : i32
      %dma_wait3A_42 = tpu.memref_slice %arg10[%add3A_4, %dma_wait3A] : memref<10240x128xf32, #tpu.memory_space<vmem_shared>> -> memref<128x128xf32, #tpu.memory_space<vmem_shared>>
      %dma_wait3A_43 = arith.constant 0 : i32
      %dma_wait3A_44 = tpu.memref_slice %arg10[%add3A_4, %dma_wait3A_43] : memref<10240x128xf32, #tpu.memory_space<vmem_shared>> -> memref<128x128xf32, #tpu.memory_space<vmem_shared>>
      tpu.wait_dma2 semaphore(%run_scoped3A : memref<!tpu.dma_semaphore, #tpu.memory_space<semaphore_mem>>) src(%arg16 : memref<128x128xf32, #tpu.memory_space<vmem>>) dst(%dma_wait3A_44 : memref<128x128xf32, #tpu.memory_space<vmem_shared>>)
      tpu.yield
    }) : () -> ()
    %add3A_5 = arith.constant 0 : i32
    %add3A_6 = arith.addi %multiple_of3A, %add3A_5 : i32
    "tpu.region"() ({
      %run_scoped3A = tpu.sem_alloc : memref<!tpu.dma_semaphore, #tpu.memory_space<semaphore_mem>>
      %dma_start3A = arith.constant 0 : i32
      %dma_start3A_39 = tpu.memref_slice %arg11[%add3A_6, %dma_start3A] : memref<10240x16xf32, #tpu.memory_space<vmem_shared>> -> memref<128x16xf32, #tpu.memory_space<vmem_shared>>
      %dma_start3A_40 = arith.constant 0 : i32
      %dma_start3A_41 = tpu.memref_slice %arg11[%add3A_6, %dma_start3A_40] : memref<10240x16xf32, #tpu.memory_space<vmem_shared>> -> memref<128x16xf32, #tpu.memory_space<vmem_shared>>
      tpu.enqueue_dma source(%arg17 : memref<128x16xf32, #tpu.memory_space<vmem>>) target(%dma_start3A_41 : memref<128x16xf32, #tpu.memory_space<vmem_shared>>) target_semaphore(%run_scoped3A : memref<!tpu.dma_semaphore, #tpu.memory_space<semaphore_mem>>)
      %dma_wait3A = arith.constant 0 : i32
      %dma_wait3A_42 = tpu.memref_slice %arg11[%add3A_6, %dma_wait3A] : memref<10240x16xf32, #tpu.memory_space<vmem_shared>> -> memref<128x16xf32, #tpu.memory_space<vmem_shared>>
      %dma_wait3A_43 = arith.constant 0 : i32
      %dma_wait3A_44 = tpu.memref_slice %arg11[%add3A_6, %dma_wait3A_43] : memref<10240x16xf32, #tpu.memory_space<vmem_shared>> -> memref<128x16xf32, #tpu.memory_space<vmem_shared>>
      tpu.wait_dma2 semaphore(%run_scoped3A : memref<!tpu.dma_semaphore, #tpu.memory_space<semaphore_mem>>) src(%arg17 : memref<128x16xf32, #tpu.memory_space<vmem>>) dst(%dma_wait3A_44 : memref<128x16xf32, #tpu.memory_space<vmem_shared>>)
      tpu.yield
    }) : () -> ()
    %add3A_7 = arith.constant 128 : i32
    %add3A_8 = arith.addi %multiple_of3A, %add3A_7 : i32
    "tpu.region"() ({
      %run_scoped3A = tpu.sem_alloc : memref<!tpu.dma_semaphore, #tpu.memory_space<semaphore_mem>>
      %dma_start3A = arith.constant 0 : i32
      %dma_start3A_39 = tpu.memref_slice %arg10[%add3A_8, %dma_start3A] : memref<10240x128xf32, #tpu.memory_space<vmem_shared>> -> memref<128x128xf32, #tpu.memory_space<vmem_shared>>
      %dma_start3A_40 = arith.constant 0 : i32
      %dma_start3A_41 = tpu.memref_slice %arg10[%add3A_8, %dma_start3A_40] : memref<10240x128xf32, #tpu.memory_space<vmem_shared>> -> memref<128x128xf32, #tpu.memory_space<vmem_shared>>
      tpu.enqueue_dma source(%arg16 : memref<128x128xf32, #tpu.memory_space<vmem>>) target(%dma_start3A_41 : memref<128x128xf32, #tpu.memory_space<vmem_shared>>) target_semaphore(%run_scoped3A : memref<!tpu.dma_semaphore, #tpu.memory_space<semaphore_mem>>)
      %dma_wait3A = arith.constant 0 : i32
      %dma_wait3A_42 = tpu.memref_slice %arg10[%add3A_8, %dma_wait3A] : memref<10240x128xf32, #tpu.memory_space<vmem_shared>> -> memref<128x128xf32, #tpu.memory_space<vmem_shared>>
      %dma_wait3A_43 = arith.constant 0 : i32
      %dma_wait3A_44 = tpu.memref_slice %arg10[%add3A_8, %dma_wait3A_43] : memref<10240x128xf32, #tpu.memory_space<vmem_shared>> -> memref<128x128xf32, #tpu.memory_space<vmem_shared>>
      tpu.wait_dma2 semaphore(%run_scoped3A : memref<!tpu.dma_semaphore, #tpu.memory_space<semaphore_mem>>) src(%arg16 : memref<128x128xf32, #tpu.memory_space<vmem>>) dst(%dma_wait3A_44 : memref<128x128xf32, #tpu.memory_space<vmem_shared>>)
      tpu.yield
    }) : () -> ()
    %add3A_9 = arith.constant 128 : i32
    %add3A_10 = arith.addi %multiple_of3A, %add3A_9 : i32
    "tpu.region"() ({
      %run_scoped3A = tpu.sem_alloc : memref<!tpu.dma_semaphore, #tpu.memory_space<semaphore_mem>>
      %dma_start3A = arith.constant 0 : i32
      %dma_start3A_39 = tpu.memref_slice %arg11[%add3A_10, %dma_start3A] : memref<10240x16xf32, #tpu.memory_space<vmem_shared>> -> memref<128x16xf32, #tpu.memory_space<vmem_shared>>
      %dma_start3A_40 = arith.constant 0 : i32
      %dma_start3A_41 = tpu.memref_slice %arg11[%add3A_10, %dma_start3A_40] : memref<10240x16xf32, #tpu.memory_space<vmem_shared>> -> memref<128x16xf32, #tpu.memory_space<vmem_shared>>
      tpu.enqueue_dma source(%arg17 : memref<128x16xf32, #tpu.memory_space<vmem>>) target(%dma_start3A_41 : memref<128x16xf32, #tpu.memory_space<vmem_shared>>) target_semaphore(%run_scoped3A : memref<!tpu.dma_semaphore, #tpu.memory_space<semaphore_mem>>)
      %dma_wait3A = arith.constant 0 : i32
      %dma_wait3A_42 = tpu.memref_slice %arg11[%add3A_10, %dma_wait3A] : memref<10240x16xf32, #tpu.memory_space<vmem_shared>> -> memref<128x16xf32, #tpu.memory_space<vmem_shared>>
      %dma_wait3A_43 = arith.constant 0 : i32
      %dma_wait3A_44 = tpu.memref_slice %arg11[%add3A_10, %dma_wait3A_43] : memref<10240x16xf32, #tpu.memory_space<vmem_shared>> -> memref<128x16xf32, #tpu.memory_space<vmem_shared>>
      tpu.wait_dma2 semaphore(%run_scoped3A : memref<!tpu.dma_semaphore, #tpu.memory_space<semaphore_mem>>) src(%arg17 : memref<128x16xf32, #tpu.memory_space<vmem>>) dst(%dma_wait3A_44 : memref<128x16xf32, #tpu.memory_space<vmem_shared>>)
      tpu.yield
    }) : () -> ()
    %add3A_11 = arith.constant 256 : i32
    %add3A_12 = arith.addi %multiple_of3A, %add3A_11 : i32
    "tpu.region"() ({
      %run_scoped3A = tpu.sem_alloc : memref<!tpu.dma_semaphore, #tpu.memory_space<semaphore_mem>>
      %dma_start3A = arith.constant 0 : i32
      %dma_start3A_39 = tpu.memref_slice %arg10[%add3A_12, %dma_start3A] : memref<10240x128xf32, #tpu.memory_space<vmem_shared>> -> memref<128x128xf32, #tpu.memory_space<vmem_shared>>
      %dma_start3A_40 = arith.constant 0 : i32
      %dma_start3A_41 = tpu.memref_slice %arg10[%add3A_12, %dma_start3A_40] : memref<10240x128xf32, #tpu.memory_space<vmem_shared>> -> memref<128x128xf32, #tpu.memory_space<vmem_shared>>
      tpu.enqueue_dma source(%arg16 : memref<128x128xf32, #tpu.memory_space<vmem>>) target(%dma_start3A_41 : memref<128x128xf32, #tpu.memory_space<vmem_shared>>) target_semaphore(%run_scoped3A : memref<!tpu.dma_semaphore, #tpu.memory_space<semaphore_mem>>)
      %dma_wait3A = arith.constant 0 : i32
      %dma_wait3A_42 = tpu.memref_slice %arg10[%add3A_12, %dma_wait3A] : memref<10240x128xf32, #tpu.memory_space<vmem_shared>> -> memref<128x128xf32, #tpu.memory_space<vmem_shared>>
      %dma_wait3A_43 = arith.constant 0 : i32
      %dma_wait3A_44 = tpu.memref_slice %arg10[%add3A_12, %dma_wait3A_43] : memref<10240x128xf32, #tpu.memory_space<vmem_shared>> -> memref<128x128xf32, #tpu.memory_space<vmem_shared>>
      tpu.wait_dma2 semaphore(%run_scoped3A : memref<!tpu.dma_semaphore, #tpu.memory_space<semaphore_mem>>) src(%arg16 : memref<128x128xf32, #tpu.memory_space<vmem>>) dst(%dma_wait3A_44 : memref<128x128xf32, #tpu.memory_space<vmem_shared>>)
      tpu.yield
    }) : () -> ()
    %add3A_13 = arith.constant 256 : i32
    %add3A_14 = arith.addi %multiple_of3A, %add3A_13 : i32
    "tpu.region"() ({
      %run_scoped3A = tpu.sem_alloc : memref<!tpu.dma_semaphore, #tpu.memory_space<semaphore_mem>>
      %dma_start3A = arith.constant 0 : i32
      %dma_start3A_39 = tpu.memref_slice %arg11[%add3A_14, %dma_start3A] : memref<10240x16xf32, #tpu.memory_space<vmem_shared>> -> memref<128x16xf32, #tpu.memory_space<vmem_shared>>
      %dma_start3A_40 = arith.constant 0 : i32
      %dma_start3A_41 = tpu.memref_slice %arg11[%add3A_14, %dma_start3A_40] : memref<10240x16xf32, #tpu.memory_space<vmem_shared>> -> memref<128x16xf32, #tpu.memory_space<vmem_shared>>
      tpu.enqueue_dma source(%arg17 : memref<128x16xf32, #tpu.memory_space<vmem>>) target(%dma_start3A_41 : memref<128x16xf32, #tpu.memory_space<vmem_shared>>) target_semaphore(%run_scoped3A : memref<!tpu.dma_semaphore, #tpu.memory_space<semaphore_mem>>)
      %dma_wait3A = arith.constant 0 : i32
      %dma_wait3A_42 = tpu.memref_slice %arg11[%add3A_14, %dma_wait3A] : memref<10240x16xf32, #tpu.memory_space<vmem_shared>> -> memref<128x16xf32, #tpu.memory_space<vmem_shared>>
      %dma_wait3A_43 = arith.constant 0 : i32
      %dma_wait3A_44 = tpu.memref_slice %arg11[%add3A_14, %dma_wait3A_43] : memref<10240x16xf32, #tpu.memory_space<vmem_shared>> -> memref<128x16xf32, #tpu.memory_space<vmem_shared>>
      tpu.wait_dma2 semaphore(%run_scoped3A : memref<!tpu.dma_semaphore, #tpu.memory_space<semaphore_mem>>) src(%arg17 : memref<128x16xf32, #tpu.memory_space<vmem>>) dst(%dma_wait3A_44 : memref<128x16xf32, #tpu.memory_space<vmem_shared>>)
      tpu.yield
    }) : () -> ()
    %add3A_15 = arith.constant 384 : i32
    %add3A_16 = arith.addi %multiple_of3A, %add3A_15 : i32
    "tpu.region"() ({
      %run_scoped3A = tpu.sem_alloc : memref<!tpu.dma_semaphore, #tpu.memory_space<semaphore_mem>>
      %dma_start3A = arith.constant 0 : i32
      %dma_start3A_39 = tpu.memref_slice %arg10[%add3A_16, %dma_start3A] : memref<10240x128xf32, #tpu.memory_space<vmem_shared>> -> memref<128x128xf32, #tpu.memory_space<vmem_shared>>
      %dma_start3A_40 = arith.constant 0 : i32
      %dma_start3A_41 = tpu.memref_slice %arg10[%add3A_16, %dma_start3A_40] : memref<10240x128xf32, #tpu.memory_space<vmem_shared>> -> memref<128x128xf32, #tpu.memory_space<vmem_shared>>
      tpu.enqueue_dma source(%arg16 : memref<128x128xf32, #tpu.memory_space<vmem>>) target(%dma_start3A_41 : memref<128x128xf32, #tpu.memory_space<vmem_shared>>) target_semaphore(%run_scoped3A : memref<!tpu.dma_semaphore, #tpu.memory_space<semaphore_mem>>)
      %dma_wait3A = arith.constant 0 : i32
      %dma_wait3A_42 = tpu.memref_slice %arg10[%add3A_16, %dma_wait3A] : memref<10240x128xf32, #tpu.memory_space<vmem_shared>> -> memref<128x128xf32, #tpu.memory_space<vmem_shared>>
      %dma_wait3A_43 = arith.constant 0 : i32
      %dma_wait3A_44 = tpu.memref_slice %arg10[%add3A_16, %dma_wait3A_43] : memref<10240x128xf32, #tpu.memory_space<vmem_shared>> -> memref<128x128xf32, #tpu.memory_space<vmem_shared>>
      tpu.wait_dma2 semaphore(%run_scoped3A : memref<!tpu.dma_semaphore, #tpu.memory_space<semaphore_mem>>) src(%arg16 : memref<128x128xf32, #tpu.memory_space<vmem>>) dst(%dma_wait3A_44 : memref<128x128xf32, #tpu.memory_space<vmem_shared>>)
      tpu.yield
    }) : () -> ()
    %add3A_17 = arith.constant 384 : i32
    %add3A_18 = arith.addi %multiple_of3A, %add3A_17 : i32
    "tpu.region"() ({
      %run_scoped3A = tpu.sem_alloc : memref<!tpu.dma_semaphore, #tpu.memory_space<semaphore_mem>>
      %dma_start3A = arith.constant 0 : i32
      %dma_start3A_39 = tpu.memref_slice %arg11[%add3A_18, %dma_start3A] : memref<10240x16xf32, #tpu.memory_space<vmem_shared>> -> memref<128x16xf32, #tpu.memory_space<vmem_shared>>
      %dma_start3A_40 = arith.constant 0 : i32
      %dma_start3A_41 = tpu.memref_slice %arg11[%add3A_18, %dma_start3A_40] : memref<10240x16xf32, #tpu.memory_space<vmem_shared>> -> memref<128x16xf32, #tpu.memory_space<vmem_shared>>
      tpu.enqueue_dma source(%arg17 : memref<128x16xf32, #tpu.memory_space<vmem>>) target(%dma_start3A_41 : memref<128x16xf32, #tpu.memory_space<vmem_shared>>) target_semaphore(%run_scoped3A : memref<!tpu.dma_semaphore, #tpu.memory_space<semaphore_mem>>)
      %dma_wait3A = arith.constant 0 : i32
      %dma_wait3A_42 = tpu.memref_slice %arg11[%add3A_18, %dma_wait3A] : memref<10240x16xf32, #tpu.memory_space<vmem_shared>> -> memref<128x16xf32, #tpu.memory_space<vmem_shared>>
      %dma_wait3A_43 = arith.constant 0 : i32
      %dma_wait3A_44 = tpu.memref_slice %arg11[%add3A_18, %dma_wait3A_43] : memref<10240x16xf32, #tpu.memory_space<vmem_shared>> -> memref<128x16xf32, #tpu.memory_space<vmem_shared>>
      tpu.wait_dma2 semaphore(%run_scoped3A : memref<!tpu.dma_semaphore, #tpu.memory_space<semaphore_mem>>) src(%arg17 : memref<128x16xf32, #tpu.memory_space<vmem>>) dst(%dma_wait3A_44 : memref<128x16xf32, #tpu.memory_space<vmem_shared>>)
      tpu.yield
    }) : () -> ()
    %add3A_19 = arith.constant 512 : i32
    %add3A_20 = arith.addi %multiple_of3A, %add3A_19 : i32
    "tpu.region"() ({
      %run_scoped3A = tpu.sem_alloc : memref<!tpu.dma_semaphore, #tpu.memory_space<semaphore_mem>>
      %dma_start3A = arith.constant 0 : i32
      %dma_start3A_39 = tpu.memref_slice %arg10[%add3A_20, %dma_start3A] : memref<10240x128xf32, #tpu.memory_space<vmem_shared>> -> memref<128x128xf32, #tpu.memory_space<vmem_shared>>
      %dma_start3A_40 = arith.constant 0 : i32
      %dma_start3A_41 = tpu.memref_slice %arg10[%add3A_20, %dma_start3A_40] : memref<10240x128xf32, #tpu.memory_space<vmem_shared>> -> memref<128x128xf32, #tpu.memory_space<vmem_shared>>
      tpu.enqueue_dma source(%arg16 : memref<128x128xf32, #tpu.memory_space<vmem>>) target(%dma_start3A_41 : memref<128x128xf32, #tpu.memory_space<vmem_shared>>) target_semaphore(%run_scoped3A : memref<!tpu.dma_semaphore, #tpu.memory_space<semaphore_mem>>)
      %dma_wait3A = arith.constant 0 : i32
      %dma_wait3A_42 = tpu.memref_slice %arg10[%add3A_20, %dma_wait3A] : memref<10240x128xf32, #tpu.memory_space<vmem_shared>> -> memref<128x128xf32, #tpu.memory_space<vmem_shared>>
      %dma_wait3A_43 = arith.constant 0 : i32
      %dma_wait3A_44 = tpu.memref_slice %arg10[%add3A_20, %dma_wait3A_43] : memref<10240x128xf32, #tpu.memory_space<vmem_shared>> -> memref<128x128xf32, #tpu.memory_space<vmem_shared>>
      tpu.wait_dma2 semaphore(%run_scoped3A : memref<!tpu.dma_semaphore, #tpu.memory_space<semaphore_mem>>) src(%arg16 : memref<128x128xf32, #tpu.memory_space<vmem>>) dst(%dma_wait3A_44 : memref<128x128xf32, #tpu.memory_space<vmem_shared>>)
      tpu.yield
    }) : () -> ()
    %add3A_21 = arith.constant 512 : i32
    %add3A_22 = arith.addi %multiple_of3A, %add3A_21 : i32
    "tpu.region"() ({
      %run_scoped3A = tpu.sem_alloc : memref<!tpu.dma_semaphore, #tpu.memory_space<semaphore_mem>>
      %dma_start3A = arith.constant 0 : i32
      %dma_start3A_39 = tpu.memref_slice %arg11[%add3A_22, %dma_start3A] : memref<10240x16xf32, #tpu.memory_space<vmem_shared>> -> memref<128x16xf32, #tpu.memory_space<vmem_shared>>
      %dma_start3A_40 = arith.constant 0 : i32
      %dma_start3A_41 = tpu.memref_slice %arg11[%add3A_22, %dma_start3A_40] : memref<10240x16xf32, #tpu.memory_space<vmem_shared>> -> memref<128x16xf32, #tpu.memory_space<vmem_shared>>
      tpu.enqueue_dma source(%arg17 : memref<128x16xf32, #tpu.memory_space<vmem>>) target(%dma_start3A_41 : memref<128x16xf32, #tpu.memory_space<vmem_shared>>) target_semaphore(%run_scoped3A : memref<!tpu.dma_semaphore, #tpu.memory_space<semaphore_mem>>)
      %dma_wait3A = arith.constant 0 : i32
      %dma_wait3A_42 = tpu.memref_slice %arg11[%add3A_22, %dma_wait3A] : memref<10240x16xf32, #tpu.memory_space<vmem_shared>> -> memref<128x16xf32, #tpu.memory_space<vmem_shared>>
      %dma_wait3A_43 = arith.constant 0 : i32
      %dma_wait3A_44 = tpu.memref_slice %arg11[%add3A_22, %dma_wait3A_43] : memref<10240x16xf32, #tpu.memory_space<vmem_shared>> -> memref<128x16xf32, #tpu.memory_space<vmem_shared>>
      tpu.wait_dma2 semaphore(%run_scoped3A : memref<!tpu.dma_semaphore, #tpu.memory_space<semaphore_mem>>) src(%arg17 : memref<128x16xf32, #tpu.memory_space<vmem>>) dst(%dma_wait3A_44 : memref<128x16xf32, #tpu.memory_space<vmem_shared>>)
      tpu.yield
    }) : () -> ()
    %barrier3A = arith.constant 0 : index
    tpu.barrier barrier_id(%barrier3A)
    %scan3A = arith.constant 0 : i32
    %scan3A_23 = arith.constant 0 : i32
    %scan3A_24 = arith.constant 100 : i32
    %scan3A_25 = arith.addi %scan3A_23, %scan3A_24 : i32
    %scan3A_26 = arith.constant 1 : i32
    scf.for %scan3A_39 = %scan3A_23 to %scan3A_25 step %scan3A_26  : i32 {
      "tpu.region"() ({
        %run_scoped3A_42 = tpu.sem_alloc : memref<!tpu.dma_semaphore, #tpu.memory_space<semaphore_mem>>
        %dma_start3A = arith.constant 0 : i32
        %dma_start3A_43 = arith.constant 0 : i32
        %dma_start3A_44 = tpu.memref_slice %arg3[%add3A, %scan3A_39, %dma_start3A, %dma_start3A_43] : memref<32x100x1x100xi32, #tpu.memory_space<hbm>> -> memref<1x1x1x100xi32, #tpu.memory_space<hbm>>
        %dma_start3A_45 = tpu.memref_squeeze %dma_start3A_44 : memref<1x1x1x100xi32, #tpu.memory_space<hbm>> -> memref<1x100xi32, #tpu.memory_space<hbm>>
        %dma_start3A_46 = arith.constant 0 : i32
        %dma_start3A_47 = arith.constant 0 : i32
        %dma_start3A_48 = tpu.memref_slice %arg3[%add3A, %scan3A_39, %dma_start3A_46, %dma_start3A_47] : memref<32x100x1x100xi32, #tpu.memory_space<hbm>> -> memref<1x1x1x100xi32, #tpu.memory_space<hbm>>
        %dma_start3A_49 = tpu.memref_squeeze %dma_start3A_48 : memref<1x1x1x100xi32, #tpu.memory_space<hbm>> -> memref<1x100xi32, #tpu.memory_space<hbm>>
        tpu.enqueue_dma source(%dma_start3A_49 : memref<1x100xi32, #tpu.memory_space<hbm>>) target(%arg12 : memref<1x100xi32, #tpu.memory_space<vmem>>) target_semaphore(%run_scoped3A_42 : memref<!tpu.dma_semaphore, #tpu.memory_space<semaphore_mem>>)
        %dma_wait3A = arith.constant 0 : i32
        %dma_wait3A_50 = arith.constant 0 : i32
        %dma_wait3A_51 = tpu.memref_slice %arg3[%add3A, %scan3A_39, %dma_wait3A, %dma_wait3A_50] : memref<32x100x1x100xi32, #tpu.memory_space<hbm>> -> memref<1x1x1x100xi32, #tpu.memory_space<hbm>>
        %dma_wait3A_52 = tpu.memref_squeeze %dma_wait3A_51 : memref<1x1x1x100xi32, #tpu.memory_space<hbm>> -> memref<1x100xi32, #tpu.memory_space<hbm>>
        %dma_wait3A_53 = arith.constant 0 : i32
        %dma_wait3A_54 = arith.constant 0 : i32
        %dma_wait3A_55 = tpu.memref_slice %arg3[%add3A, %scan3A_39, %dma_wait3A_53, %dma_wait3A_54] : memref<32x100x1x100xi32, #tpu.memory_space<hbm>> -> memref<1x1x1x100xi32, #tpu.memory_space<hbm>>
        %dma_wait3A_56 = tpu.memref_squeeze %dma_wait3A_55 : memref<1x1x1x100xi32, #tpu.memory_space<hbm>> -> memref<1x100xi32, #tpu.memory_space<hbm>>
        tpu.wait_dma2 semaphore(%run_scoped3A_42 : memref<!tpu.dma_semaphore, #tpu.memory_space<semaphore_mem>>) src(%dma_wait3A_56 : memref<1x100xi32, #tpu.memory_space<hbm>>) dst(%arg12 : memref<1x100xi32, #tpu.memory_space<vmem>>)
        tpu.yield
      }) : () -> ()
      "tpu.region"() ({
        %run_scoped3A_42 = tpu.sem_alloc : memref<!tpu.dma_semaphore, #tpu.memory_space<semaphore_mem>>
        %dma_start3A = arith.constant 0 : i32
        %dma_start3A_43 = arith.constant 0 : i32
        %dma_start3A_44 = tpu.memref_slice %arg4[%add3A, %scan3A_39, %dma_start3A, %dma_start3A_43] : memref<32x100x1x100xi32, #tpu.memory_space<hbm>> -> memref<1x1x1x100xi32, #tpu.memory_space<hbm>>
        %dma_start3A_45 = tpu.memref_squeeze %dma_start3A_44 : memref<1x1x1x100xi32, #tpu.memory_space<hbm>> -> memref<1x100xi32, #tpu.memory_space<hbm>>
        %dma_start3A_46 = arith.constant 0 : i32
        %dma_start3A_47 = arith.constant 0 : i32
        %dma_start3A_48 = tpu.memref_slice %arg4[%add3A, %scan3A_39, %dma_start3A_46, %dma_start3A_47] : memref<32x100x1x100xi32, #tpu.memory_space<hbm>> -> memref<1x1x1x100xi32, #tpu.memory_space<hbm>>
        %dma_start3A_49 = tpu.memref_squeeze %dma_start3A_48 : memref<1x1x1x100xi32, #tpu.memory_space<hbm>> -> memref<1x100xi32, #tpu.memory_space<hbm>>
        tpu.enqueue_dma source(%dma_start3A_49 : memref<1x100xi32, #tpu.memory_space<hbm>>) target(%arg13 : memref<1x100xi32, #tpu.memory_space<vmem>>) target_semaphore(%run_scoped3A_42 : memref<!tpu.dma_semaphore, #tpu.memory_space<semaphore_mem>>)
        %dma_wait3A = arith.constant 0 : i32
        %dma_wait3A_50 = arith.constant 0 : i32
        %dma_wait3A_51 = tpu.memref_slice %arg4[%add3A, %scan3A_39, %dma_wait3A, %dma_wait3A_50] : memref<32x100x1x100xi32, #tpu.memory_space<hbm>> -> memref<1x1x1x100xi32, #tpu.memory_space<hbm>>
        %dma_wait3A_52 = tpu.memref_squeeze %dma_wait3A_51 : memref<1x1x1x100xi32, #tpu.memory_space<hbm>> -> memref<1x100xi32, #tpu.memory_space<hbm>>
        %dma_wait3A_53 = arith.constant 0 : i32
        %dma_wait3A_54 = arith.constant 0 : i32
        %dma_wait3A_55 = tpu.memref_slice %arg4[%add3A, %scan3A_39, %dma_wait3A_53, %dma_wait3A_54] : memref<32x100x1x100xi32, #tpu.memory_space<hbm>> -> memref<1x1x1x100xi32, #tpu.memory_space<hbm>>
        %dma_wait3A_56 = tpu.memref_squeeze %dma_wait3A_55 : memref<1x1x1x100xi32, #tpu.memory_space<hbm>> -> memref<1x100xi32, #tpu.memory_space<hbm>>
        tpu.wait_dma2 semaphore(%run_scoped3A_42 : memref<!tpu.dma_semaphore, #tpu.memory_space<semaphore_mem>>) src(%dma_wait3A_56 : memref<1x100xi32, #tpu.memory_space<hbm>>) dst(%arg13 : memref<1x100xi32, #tpu.memory_space<vmem>>)
        tpu.yield
      }) : () -> ()
      %run_scoped3A = arith.constant 0 : i32
      "tpu.region"() ({
        %run_scoped3A_42 = tpu.sem_alloc : memref<!tpu.dma_semaphore, #tpu.memory_space<semaphore_mem>>
        %dma_start3A = arith.constant 0 : i32
        %dma_start3A_43 = tpu.memref_slice %arg12[%run_scoped3A, %dma_start3A] : memref<1x100xi32, #tpu.memory_space<vmem>> -> memref<1x100xi32, #tpu.memory_space<vmem>>
        %dma_start3A_44 = tpu.memref_squeeze %dma_start3A_43 : memref<1x100xi32, #tpu.memory_space<vmem>> -> memref<100xi32, #tpu.memory_space<vmem>>
        %dma_start3A_45 = arith.constant 0 : i32
        %dma_start3A_46 = arith.constant 0 : i32
        %dma_start3A_47 = tpu.memref_slice %arg2[%dma_start3A_45, %dma_start3A_46] : memref<10000x128xf32, #tpu.memory_space<hbm>> -> memref<10000x128xf32, #tpu.memory_space<hbm>>
        tpu.enqueue_indirect_dma source(%dma_start3A_47 : memref<10000x128xf32, #tpu.memory_space<hbm>>) target(%arg14 : memref<100x128xf32, #tpu.memory_space<vmem>>) offsets(%dma_start3A_44 : memref<100xi32, #tpu.memory_space<vmem>>) semaphore(%run_scoped3A_42 : memref<!tpu.dma_semaphore, #tpu.memory_space<semaphore_mem>>)
        %dma_wait3A = arith.constant 0 : i32
        %dma_wait3A_48 = tpu.memref_slice %arg12[%run_scoped3A, %dma_wait3A] : memref<1x100xi32, #tpu.memory_space<vmem>> -> memref<1x100xi32, #tpu.memory_space<vmem>>
        %dma_wait3A_49 = tpu.memref_squeeze %dma_wait3A_48 : memref<1x100xi32, #tpu.memory_space<vmem>> -> memref<100xi32, #tpu.memory_space<vmem>>
        %dma_wait3A_50 = arith.constant 0 : i32
        %dma_wait3A_51 = arith.constant 0 : i32
        %dma_wait3A_52 = tpu.memref_slice %arg2[%dma_wait3A_50, %dma_wait3A_51] : memref<10000x128xf32, #tpu.memory_space<hbm>> -> memref<10000x128xf32, #tpu.memory_space<hbm>>
        tpu.wait_indirect_dma semaphore(%run_scoped3A_42 : memref<!tpu.dma_semaphore, #tpu.memory_space<semaphore_mem>>) src(%dma_wait3A_52 : memref<10000x128xf32, #tpu.memory_space<hbm>>) dst(%arg14 : memref<100x128xf32, #tpu.memory_space<vmem>>)
        tpu.yield
      }) : () -> ()
      %run_scoped3A_40 = arith.constant 0 : i32
      "tpu.region"() ({
        %run_scoped3A_42 = tpu.sem_alloc : memref<!tpu.dma_semaphore, #tpu.memory_space<semaphore_mem>>
        %dma_start3A = arith.constant 0 : i32
        %dma_start3A_43 = tpu.memref_slice %arg13[%run_scoped3A_40, %dma_start3A] : memref<1x100xi32, #tpu.memory_space<vmem>> -> memref<1x100xi32, #tpu.memory_space<vmem>>
        %dma_start3A_44 = tpu.memref_squeeze %dma_start3A_43 : memref<1x100xi32, #tpu.memory_space<vmem>> -> memref<100xi32, #tpu.memory_space<vmem>>
        %dma_start3A_45 = arith.constant 0 : i32
        %dma_start3A_46 = arith.constant 0 : i32
        %dma_start3A_47 = tpu.memref_slice %arg10[%dma_start3A_45, %dma_start3A_46] : memref<10240x128xf32, #tpu.memory_space<vmem_shared>> -> memref<10240x128xf32, #tpu.memory_space<vmem_shared>>
        tpu.enqueue_indirect_dma source(%arg14 : memref<100x128xf32, #tpu.memory_space<vmem>>) target(%dma_start3A_47 : memref<10240x128xf32, #tpu.memory_space<vmem_shared>>) offsets(%dma_start3A_44 : memref<100xi32, #tpu.memory_space<vmem>>) semaphore(%run_scoped3A_42 : memref<!tpu.dma_semaphore, #tpu.memory_space<semaphore_mem>>) {add = true}
        %dma_wait3A = arith.constant 0 : i32
        %dma_wait3A_48 = tpu.memref_slice %arg13[%run_scoped3A_40, %dma_wait3A] : memref<1x100xi32, #tpu.memory_space<vmem>> -> memref<1x100xi32, #tpu.memory_space<vmem>>
        %dma_wait3A_49 = tpu.memref_squeeze %dma_wait3A_48 : memref<1x100xi32, #tpu.memory_space<vmem>> -> memref<100xi32, #tpu.memory_space<vmem>>
        %dma_wait3A_50 = arith.constant 0 : i32
        %dma_wait3A_51 = arith.constant 0 : i32
        %dma_wait3A_52 = tpu.memref_slice %arg10[%dma_wait3A_50, %dma_wait3A_51] : memref<10240x128xf32, #tpu.memory_space<vmem_shared>> -> memref<10240x128xf32, #tpu.memory_space<vmem_shared>>
        tpu.wait_indirect_dma semaphore(%run_scoped3A_42 : memref<!tpu.dma_semaphore, #tpu.memory_space<semaphore_mem>>) src(%arg14 : memref<100x128xf32, #tpu.memory_space<vmem>>) dst(%dma_wait3A_52 : memref<10240x128xf32, #tpu.memory_space<vmem_shared>>)
        tpu.yield
      }) : () -> ()
      %run_scoped3A_41 = arith.constant 0 : i32
      "tpu.region"() ({
        %run_scoped3A_42 = tpu.sem_alloc : memref<!tpu.dma_semaphore, #tpu.memory_space<semaphore_mem>>
        %dma_start3A = arith.constant 0 : i32
        %dma_start3A_43 = tpu.memref_slice %arg13[%run_scoped3A_41, %dma_start3A] : memref<1x100xi32, #tpu.memory_space<vmem>> -> memref<1x100xi32, #tpu.memory_space<vmem>>
        %dma_start3A_44 = tpu.memref_squeeze %dma_start3A_43 : memref<1x100xi32, #tpu.memory_space<vmem>> -> memref<100xi32, #tpu.memory_space<vmem>>
        %dma_start3A_45 = arith.constant 0 : i32
        %dma_start3A_46 = arith.constant 0 : i32
        %dma_start3A_47 = tpu.memref_slice %arg11[%dma_start3A_45, %dma_start3A_46] : memref<10240x16xf32, #tpu.memory_space<vmem_shared>> -> memref<10240x16xf32, #tpu.memory_space<vmem_shared>>
        tpu.enqueue_indirect_dma source(%arg15 : memref<100x16xf32, #tpu.memory_space<vmem>>) target(%dma_start3A_47 : memref<10240x16xf32, #tpu.memory_space<vmem_shared>>) offsets(%dma_start3A_44 : memref<100xi32, #tpu.memory_space<vmem>>) semaphore(%run_scoped3A_42 : memref<!tpu.dma_semaphore, #tpu.memory_space<semaphore_mem>>) {add = true}
        %dma_wait3A = arith.constant 0 : i32
        %dma_wait3A_48 = tpu.memref_slice %arg13[%run_scoped3A_41, %dma_wait3A] : memref<1x100xi32, #tpu.memory_space<vmem>> -> memref<1x100xi32, #tpu.memory_space<vmem>>
        %dma_wait3A_49 = tpu.memref_squeeze %dma_wait3A_48 : memref<1x100xi32, #tpu.memory_space<vmem>> -> memref<100xi32, #tpu.memory_space<vmem>>
        %dma_wait3A_50 = arith.constant 0 : i32
        %dma_wait3A_51 = arith.constant 0 : i32
        %dma_wait3A_52 = tpu.memref_slice %arg11[%dma_wait3A_50, %dma_wait3A_51] : memref<10240x16xf32, #tpu.memory_space<vmem_shared>> -> memref<10240x16xf32, #tpu.memory_space<vmem_shared>>
        tpu.wait_indirect_dma semaphore(%run_scoped3A_42 : memref<!tpu.dma_semaphore, #tpu.memory_space<semaphore_mem>>) src(%arg15 : memref<100x16xf32, #tpu.memory_space<vmem>>) dst(%dma_wait3A_52 : memref<10240x16xf32, #tpu.memory_space<vmem_shared>>)
        tpu.yield
      }) : () -> ()
    }
    %scan3A_27 = arith.constant 100 : i32
    %barrier3A_28 = arith.constant 0 : index
    tpu.barrier barrier_id(%barrier3A_28)
    %add3A_29 = arith.constant 0 : i32
    %add3A_30 = arith.addi %multiple_of3A, %add3A_29 : i32
    "tpu.region"() ({
      %run_scoped3A = tpu.sem_alloc : memref<!tpu.dma_semaphore, #tpu.memory_space<semaphore_mem>>
      %dma_start3A = arith.constant 0 : i32
      %dma_start3A_39 = tpu.memref_slice %arg10[%add3A_30, %dma_start3A] : memref<10240x128xf32, #tpu.memory_space<vmem_shared>> -> memref<128x128xf32, #tpu.memory_space<vmem_shared>>
      %dma_start3A_40 = arith.constant 0 : i32
      %dma_start3A_41 = tpu.memref_slice %arg10[%add3A_30, %dma_start3A_40] : memref<10240x128xf32, #tpu.memory_space<vmem_shared>> -> memref<128x128xf32, #tpu.memory_space<vmem_shared>>
      tpu.enqueue_dma source(%dma_start3A_41 : memref<128x128xf32, #tpu.memory_space<vmem_shared>>) target(%arg16 : memref<128x128xf32, #tpu.memory_space<vmem>>) target_semaphore(%run_scoped3A : memref<!tpu.dma_semaphore, #tpu.memory_space<semaphore_mem>>)
      %dma_wait3A = arith.constant 0 : i32
      %dma_wait3A_42 = tpu.memref_slice %arg10[%add3A_30, %dma_wait3A] : memref<10240x128xf32, #tpu.memory_space<vmem_shared>> -> memref<128x128xf32, #tpu.memory_space<vmem_shared>>
      %dma_wait3A_43 = arith.constant 0 : i32
      %dma_wait3A_44 = tpu.memref_slice %arg10[%add3A_30, %dma_wait3A_43] : memref<10240x128xf32, #tpu.memory_space<vmem_shared>> -> memref<128x128xf32, #tpu.memory_space<vmem_shared>>
      tpu.wait_dma2 semaphore(%run_scoped3A : memref<!tpu.dma_semaphore, #tpu.memory_space<semaphore_mem>>) src(%dma_wait3A_44 : memref<128x128xf32, #tpu.memory_space<vmem_shared>>) dst(%arg16 : memref<128x128xf32, #tpu.memory_space<vmem>>)
      tpu.yield
    }) : () -> ()
    "tpu.region"() ({
      %run_scoped3A = tpu.sem_alloc : memref<!tpu.dma_semaphore, #tpu.memory_space<semaphore_mem>>
      %dma_start3A = arith.constant 0 : i32
      %dma_start3A_39 = tpu.memref_slice %arg8[%arg0, %add3A_30, %dma_start3A] : memref<2x10240x128xf32, #tpu.memory_space<hbm>> -> memref<1x128x128xf32, #tpu.memory_space<hbm>>
      %dma_start3A_40 = tpu.memref_squeeze %dma_start3A_39 : memref<1x128x128xf32, #tpu.memory_space<hbm>> -> memref<128x128xf32, #tpu.memory_space<hbm>>
      %dma_start3A_41 = arith.constant 0 : i32
      %dma_start3A_42 = tpu.memref_slice %arg8[%arg0, %add3A_30, %dma_start3A_41] : memref<2x10240x128xf32, #tpu.memory_space<hbm>> -> memref<1x128x128xf32, #tpu.memory_space<hbm>>
      %dma_start3A_43 = tpu.memref_squeeze %dma_start3A_42 : memref<1x128x128xf32, #tpu.memory_space<hbm>> -> memref<128x128xf32, #tpu.memory_space<hbm>>
      tpu.enqueue_dma source(%arg16 : memref<128x128xf32, #tpu.memory_space<vmem>>) target(%dma_start3A_43 : memref<128x128xf32, #tpu.memory_space<hbm>>) target_semaphore(%run_scoped3A : memref<!tpu.dma_semaphore, #tpu.memory_space<semaphore_mem>>)
      %dma_wait3A = arith.constant 0 : i32
      %dma_wait3A_44 = tpu.memref_slice %arg8[%arg0, %add3A_30, %dma_wait3A] : memref<2x10240x128xf32, #tpu.memory_space<hbm>> -> memref<1x128x128xf32, #tpu.memory_space<hbm>>
      %dma_wait3A_45 = tpu.memref_squeeze %dma_wait3A_44 : memref<1x128x128xf32, #tpu.memory_space<hbm>> -> memref<128x128xf32, #tpu.memory_space<hbm>>
      %dma_wait3A_46 = arith.constant 0 : i32
      %dma_wait3A_47 = tpu.memref_slice %arg8[%arg0, %add3A_30, %dma_wait3A_46] : memref<2x10240x128xf32, #tpu.memory_space<hbm>> -> memref<1x128x128xf32, #tpu.memory_space<hbm>>
      %dma_wait3A_48 = tpu.memref_squeeze %dma_wait3A_47 : memref<1x128x128xf32, #tpu.memory_space<hbm>> -> memref<128x128xf32, #tpu.memory_space<hbm>>
      tpu.wait_dma2 semaphore(%run_scoped3A : memref<!tpu.dma_semaphore, #tpu.memory_space<semaphore_mem>>) src(%arg16 : memref<128x128xf32, #tpu.memory_space<vmem>>) dst(%dma_wait3A_48 : memref<128x128xf32, #tpu.memory_space<hbm>>)
      tpu.yield
    }) : () -> ()
    "tpu.region"() ({
      %run_scoped3A = tpu.sem_alloc : memref<!tpu.dma_semaphore, #tpu.memory_space<semaphore_mem>>
      %dma_start3A = arith.constant 0 : i32
      %dma_start3A_39 = tpu.memref_slice %arg11[%add3A_30, %dma_start3A] : memref<10240x16xf32, #tpu.memory_space<vmem_shared>> -> memref<128x16xf32, #tpu.memory_space<vmem_shared>>
      %dma_start3A_40 = arith.constant 0 : i32
      %dma_start3A_41 = tpu.memref_slice %arg11[%add3A_30, %dma_start3A_40] : memref<10240x16xf32, #tpu.memory_space<vmem_shared>> -> memref<128x16xf32, #tpu.memory_space<vmem_shared>>
      tpu.enqueue_dma source(%dma_start3A_41 : memref<128x16xf32, #tpu.memory_space<vmem_shared>>) target(%arg17 : memref<128x16xf32, #tpu.memory_space<vmem>>) target_semaphore(%run_scoped3A : memref<!tpu.dma_semaphore, #tpu.memory_space<semaphore_mem>>)
      %dma_wait3A = arith.constant 0 : i32
      %dma_wait3A_42 = tpu.memref_slice %arg11[%add3A_30, %dma_wait3A] : memref<10240x16xf32, #tpu.memory_space<vmem_shared>> -> memref<128x16xf32, #tpu.memory_space<vmem_shared>>
      %dma_wait3A_43 = arith.constant 0 : i32
      %dma_wait3A_44 = tpu.memref_slice %arg11[%add3A_30, %dma_wait3A_43] : memref<10240x16xf32, #tpu.memory_space<vmem_shared>> -> memref<128x16xf32, #tpu.memory_space<vmem_shared>>
      tpu.wait_dma2 semaphore(%run_scoped3A : memref<!tpu.dma_semaphore, #tpu.memory_space<semaphore_mem>>) src(%dma_wait3A_44 : memref<128x16xf32, #tpu.memory_space<vmem_shared>>) dst(%arg17 : memref<128x16xf32, #tpu.memory_space<vmem>>)
      tpu.yield
    }) : () -> ()
    "tpu.region"() ({
      %run_scoped3A = tpu.sem_alloc : memref<!tpu.dma_semaphore, #tpu.memory_space<semaphore_mem>>
      %dma_start3A = arith.constant 0 : i32
      %dma_start3A_39 = tpu.memref_slice %arg9[%arg0, %add3A_30, %dma_start3A] : memref<2x10240x16xf32, #tpu.memory_space<hbm>> -> memref<1x128x16xf32, #tpu.memory_space<hbm>>
      %dma_start3A_40 = tpu.memref_squeeze %dma_start3A_39 : memref<1x128x16xf32, #tpu.memory_space<hbm>> -> memref<128x16xf32, #tpu.memory_space<hbm>>
      %dma_start3A_41 = arith.constant 0 : i32
      %dma_start3A_42 = tpu.memref_slice %arg9[%arg0, %add3A_30, %dma_start3A_41] : memref<2x10240x16xf32, #tpu.memory_space<hbm>> -> memref<1x128x16xf32, #tpu.memory_space<hbm>>
      %dma_start3A_43 = tpu.memref_squeeze %dma_start3A_42 : memref<1x128x16xf32, #tpu.memory_space<hbm>> -> memref<128x16xf32, #tpu.memory_space<hbm>>
      tpu.enqueue_dma source(%arg17 : memref<128x16xf32, #tpu.memory_space<vmem>>) target(%dma_start3A_43 : memref<128x16xf32, #tpu.memory_space<hbm>>) target_semaphore(%run_scoped3A : memref<!tpu.dma_semaphore, #tpu.memory_space<semaphore_mem>>)
      %dma_wait3A = arith.constant 0 : i32
      %dma_wait3A_44 = tpu.memref_slice %arg9[%arg0, %add3A_30, %dma_wait3A] : memref<2x10240x16xf32, #tpu.memory_space<hbm>> -> memref<1x128x16xf32, #tpu.memory_space<hbm>>
      %dma_wait3A_45 = tpu.memref_squeeze %dma_wait3A_44 : memref<1x128x16xf32, #tpu.memory_space<hbm>> -> memref<128x16xf32, #tpu.memory_space<hbm>>
      %dma_wait3A_46 = arith.constant 0 : i32
      %dma_wait3A_47 = tpu.memref_slice %arg9[%arg0, %add3A_30, %dma_wait3A_46] : memref<2x10240x16xf32, #tpu.memory_space<hbm>> -> memref<1x128x16xf32, #tpu.memory_space<hbm>>
      %dma_wait3A_48 = tpu.memref_squeeze %dma_wait3A_47 : memref<1x128x16xf32, #tpu.memory_space<hbm>> -> memref<128x16xf32, #tpu.memory_space<hbm>>
      tpu.wait_dma2 semaphore(%run_scoped3A : memref<!tpu.dma_semaphore, #tpu.memory_space<semaphore_mem>>) src(%arg17 : memref<128x16xf32, #tpu.memory_space<vmem>>) dst(%dma_wait3A_48 : memref<128x16xf32, #tpu.memory_space<hbm>>)
      tpu.yield
    }) : () -> ()
    %add3A_31 = arith.constant 128 : i32
    %add3A_32 = arith.addi %multiple_of3A, %add3A_31 : i32
    "tpu.region"() ({
      %run_scoped3A = tpu.sem_alloc : memref<!tpu.dma_semaphore, #tpu.memory_space<semaphore_mem>>
      %dma_start3A = arith.constant 0 : i32
      %dma_start3A_39 = tpu.memref_slice %arg10[%add3A_32, %dma_start3A] : memref<10240x128xf32, #tpu.memory_space<vmem_shared>> -> memref<128x128xf32, #tpu.memory_space<vmem_shared>>
      %dma_start3A_40 = arith.constant 0 : i32
      %dma_start3A_41 = tpu.memref_slice %arg10[%add3A_32, %dma_start3A_40] : memref<10240x128xf32, #tpu.memory_space<vmem_shared>> -> memref<128x128xf32, #tpu.memory_space<vmem_shared>>
      tpu.enqueue_dma source(%dma_start3A_41 : memref<128x128xf32, #tpu.memory_space<vmem_shared>>) target(%arg16 : memref<128x128xf32, #tpu.memory_space<vmem>>) target_semaphore(%run_scoped3A : memref<!tpu.dma_semaphore, #tpu.memory_space<semaphore_mem>>)
      %dma_wait3A = arith.constant 0 : i32
      %dma_wait3A_42 = tpu.memref_slice %arg10[%add3A_32, %dma_wait3A] : memref<10240x128xf32, #tpu.memory_space<vmem_shared>> -> memref<128x128xf32, #tpu.memory_space<vmem_shared>>
      %dma_wait3A_43 = arith.constant 0 : i32
      %dma_wait3A_44 = tpu.memref_slice %arg10[%add3A_32, %dma_wait3A_43] : memref<10240x128xf32, #tpu.memory_space<vmem_shared>> -> memref<128x128xf32, #tpu.memory_space<vmem_shared>>
      tpu.wait_dma2 semaphore(%run_scoped3A : memref<!tpu.dma_semaphore, #tpu.memory_space<semaphore_mem>>) src(%dma_wait3A_44 : memref<128x128xf32, #tpu.memory_space<vmem_shared>>) dst(%arg16 : memref<128x128xf32, #tpu.memory_space<vmem>>)
      tpu.yield
    }) : () -> ()
    "tpu.region"() ({
      %run_scoped3A = tpu.sem_alloc : memref<!tpu.dma_semaphore, #tpu.memory_space<semaphore_mem>>
      %dma_start3A = arith.constant 0 : i32
      %dma_start3A_39 = tpu.memref_slice %arg8[%arg0, %add3A_32, %dma_start3A] : memref<2x10240x128xf32, #tpu.memory_space<hbm>> -> memref<1x128x128xf32, #tpu.memory_space<hbm>>
      %dma_start3A_40 = tpu.memref_squeeze %dma_start3A_39 : memref<1x128x128xf32, #tpu.memory_space<hbm>> -> memref<128x128xf32, #tpu.memory_space<hbm>>
      %dma_start3A_41 = arith.constant 0 : i32
      %dma_start3A_42 = tpu.memref_slice %arg8[%arg0, %add3A_32, %dma_start3A_41] : memref<2x10240x128xf32, #tpu.memory_space<hbm>> -> memref<1x128x128xf32, #tpu.memory_space<hbm>>
      %dma_start3A_43 = tpu.memref_squeeze %dma_start3A_42 : memref<1x128x128xf32, #tpu.memory_space<hbm>> -> memref<128x128xf32, #tpu.memory_space<hbm>>
      tpu.enqueue_dma source(%arg16 : memref<128x128xf32, #tpu.memory_space<vmem>>) target(%dma_start3A_43 : memref<128x128xf32, #tpu.memory_space<hbm>>) target_semaphore(%run_scoped3A : memref<!tpu.dma_semaphore, #tpu.memory_space<semaphore_mem>>)
      %dma_wait3A = arith.constant 0 : i32
      %dma_wait3A_44 = tpu.memref_slice %arg8[%arg0, %add3A_32, %dma_wait3A] : memref<2x10240x128xf32, #tpu.memory_space<hbm>> -> memref<1x128x128xf32, #tpu.memory_space<hbm>>
      %dma_wait3A_45 = tpu.memref_squeeze %dma_wait3A_44 : memref<1x128x128xf32, #tpu.memory_space<hbm>> -> memref<128x128xf32, #tpu.memory_space<hbm>>
      %dma_wait3A_46 = arith.constant 0 : i32
      %dma_wait3A_47 = tpu.memref_slice %arg8[%arg0, %add3A_32, %dma_wait3A_46] : memref<2x10240x128xf32, #tpu.memory_space<hbm>> -> memref<1x128x128xf32, #tpu.memory_space<hbm>>
      %dma_wait3A_48 = tpu.memref_squeeze %dma_wait3A_47 : memref<1x128x128xf32, #tpu.memory_space<hbm>> -> memref<128x128xf32, #tpu.memory_space<hbm>>
      tpu.wait_dma2 semaphore(%run_scoped3A : memref<!tpu.dma_semaphore, #tpu.memory_space<semaphore_mem>>) src(%arg16 : memref<128x128xf32, #tpu.memory_space<vmem>>) dst(%dma_wait3A_48 : memref<128x128xf32, #tpu.memory_space<hbm>>)
      tpu.yield
    }) : () -> ()
    "tpu.region"() ({
      %run_scoped3A = tpu.sem_alloc : memref<!tpu.dma_semaphore, #tpu.memory_space<semaphore_mem>>
      %dma_start3A = arith.constant 0 : i32
      %dma_start3A_39 = tpu.memref_slice %arg11[%add3A_32, %dma_start3A] : memref<10240x16xf32, #tpu.memory_space<vmem_shared>> -> memref<128x16xf32, #tpu.memory_space<vmem_shared>>
      %dma_start3A_40 = arith.constant 0 : i32
      %dma_start3A_41 = tpu.memref_slice %arg11[%add3A_32, %dma_start3A_40] : memref<10240x16xf32, #tpu.memory_space<vmem_shared>> -> memref<128x16xf32, #tpu.memory_space<vmem_shared>>
      tpu.enqueue_dma source(%dma_start3A_41 : memref<128x16xf32, #tpu.memory_space<vmem_shared>>) target(%arg17 : memref<128x16xf32, #tpu.memory_space<vmem>>) target_semaphore(%run_scoped3A : memref<!tpu.dma_semaphore, #tpu.memory_space<semaphore_mem>>)
      %dma_wait3A = arith.constant 0 : i32
      %dma_wait3A_42 = tpu.memref_slice %arg11[%add3A_32, %dma_wait3A] : memref<10240x16xf32, #tpu.memory_space<vmem_shared>> -> memref<128x16xf32, #tpu.memory_space<vmem_shared>>
      %dma_wait3A_43 = arith.constant 0 : i32
      %dma_wait3A_44 = tpu.memref_slice %arg11[%add3A_32, %dma_wait3A_43] : memref<10240x16xf32, #tpu.memory_space<vmem_shared>> -> memref<128x16xf32, #tpu.memory_space<vmem_shared>>
      tpu.wait_dma2 semaphore(%run_scoped3A : memref<!tpu.dma_semaphore, #tpu.memory_space<semaphore_mem>>) src(%dma_wait3A_44 : memref<128x16xf32, #tpu.memory_space<vmem_shared>>) dst(%arg17 : memref<128x16xf32, #tpu.memory_space<vmem>>)
      tpu.yield
    }) : () -> ()
    "tpu.region"() ({
      %run_scoped3A = tpu.sem_alloc : memref<!tpu.dma_semaphore, #tpu.memory_space<semaphore_mem>>
      %dma_start3A = arith.constant 0 : i32
      %dma_start3A_39 = tpu.memref_slice %arg9[%arg0, %add3A_32, %dma_start3A] : memref<2x10240x16xf32, #tpu.memory_space<hbm>> -> memref<1x128x16xf32, #tpu.memory_space<hbm>>
      %dma_start3A_40 = tpu.memref_squeeze %dma_start3A_39 : memref<1x128x16xf32, #tpu.memory_space<hbm>> -> memref<128x16xf32, #tpu.memory_space<hbm>>
      %dma_start3A_41 = arith.constant 0 : i32
      %dma_start3A_42 = tpu.memref_slice %arg9[%arg0, %add3A_32, %dma_start3A_41] : memref<2x10240x16xf32, #tpu.memory_space<hbm>> -> memref<1x128x16xf32, #tpu.memory_space<hbm>>
      %dma_start3A_43 = tpu.memref_squeeze %dma_start3A_42 : memref<1x128x16xf32, #tpu.memory_space<hbm>> -> memref<128x16xf32, #tpu.memory_space<hbm>>
      tpu.enqueue_dma source(%arg17 : memref<128x16xf32, #tpu.memory_space<vmem>>) target(%dma_start3A_43 : memref<128x16xf32, #tpu.memory_space<hbm>>) target_semaphore(%run_scoped3A : memref<!tpu.dma_semaphore, #tpu.memory_space<semaphore_mem>>)
      %dma_wait3A = arith.constant 0 : i32
      %dma_wait3A_44 = tpu.memref_slice %arg9[%arg0, %add3A_32, %dma_wait3A] : memref<2x10240x16xf32, #tpu.memory_space<hbm>> -> memref<1x128x16xf32, #tpu.memory_space<hbm>>
      %dma_wait3A_45 = tpu.memref_squeeze %dma_wait3A_44 : memref<1x128x16xf32, #tpu.memory_space<hbm>> -> memref<128x16xf32, #tpu.memory_space<hbm>>
      %dma_wait3A_46 = arith.constant 0 : i32
      %dma_wait3A_47 = tpu.memref_slice %arg9[%arg0, %add3A_32, %dma_wait3A_46] : memref<2x10240x16xf32, #tpu.memory_space<hbm>> -> memref<1x128x16xf32, #tpu.memory_space<hbm>>
      %dma_wait3A_48 = tpu.memref_squeeze %dma_wait3A_47 : memref<1x128x16xf32, #tpu.memory_space<hbm>> -> memref<128x16xf32, #tpu.memory_space<hbm>>
      tpu.wait_dma2 semaphore(%run_scoped3A : memref<!tpu.dma_semaphore, #tpu.memory_space<semaphore_mem>>) src(%arg17 : memref<128x16xf32, #tpu.memory_space<vmem>>) dst(%dma_wait3A_48 : memref<128x16xf32, #tpu.memory_space<hbm>>)
      tpu.yield
    }) : () -> ()
    %add3A_33 = arith.constant 256 : i32
    %add3A_34 = arith.addi %multiple_of3A, %add3A_33 : i32
    "tpu.region"() ({
      %run_scoped3A = tpu.sem_alloc : memref<!tpu.dma_semaphore, #tpu.memory_space<semaphore_mem>>
      %dma_start3A = arith.constant 0 : i32
      %dma_start3A_39 = tpu.memref_slice %arg10[%add3A_34, %dma_start3A] : memref<10240x128xf32, #tpu.memory_space<vmem_shared>> -> memref<128x128xf32, #tpu.memory_space<vmem_shared>>
      %dma_start3A_40 = arith.constant 0 : i32
      %dma_start3A_41 = tpu.memref_slice %arg10[%add3A_34, %dma_start3A_40] : memref<10240x128xf32, #tpu.memory_space<vmem_shared>> -> memref<128x128xf32, #tpu.memory_space<vmem_shared>>
      tpu.enqueue_dma source(%dma_start3A_41 : memref<128x128xf32, #tpu.memory_space<vmem_shared>>) target(%arg16 : memref<128x128xf32, #tpu.memory_space<vmem>>) target_semaphore(%run_scoped3A : memref<!tpu.dma_semaphore, #tpu.memory_space<semaphore_mem>>)
      %dma_wait3A = arith.constant 0 : i32
      %dma_wait3A_42 = tpu.memref_slice %arg10[%add3A_34, %dma_wait3A] : memref<10240x128xf32, #tpu.memory_space<vmem_shared>> -> memref<128x128xf32, #tpu.memory_space<vmem_shared>>
      %dma_wait3A_43 = arith.constant 0 : i32
      %dma_wait3A_44 = tpu.memref_slice %arg10[%add3A_34, %dma_wait3A_43] : memref<10240x128xf32, #tpu.memory_space<vmem_shared>> -> memref<128x128xf32, #tpu.memory_space<vmem_shared>>
      tpu.wait_dma2 semaphore(%run_scoped3A : memref<!tpu.dma_semaphore, #tpu.memory_space<semaphore_mem>>) src(%dma_wait3A_44 : memref<128x128xf32, #tpu.memory_space<vmem_shared>>) dst(%arg16 : memref<128x128xf32, #tpu.memory_space<vmem>>)
      tpu.yield
    }) : () -> ()
    "tpu.region"() ({
      %run_scoped3A = tpu.sem_alloc : memref<!tpu.dma_semaphore, #tpu.memory_space<semaphore_mem>>
      %dma_start3A = arith.constant 0 : i32
      %dma_start3A_39 = tpu.memref_slice %arg8[%arg0, %add3A_34, %dma_start3A] : memref<2x10240x128xf32, #tpu.memory_space<hbm>> -> memref<1x128x128xf32, #tpu.memory_space<hbm>>
      %dma_start3A_40 = tpu.memref_squeeze %dma_start3A_39 : memref<1x128x128xf32, #tpu.memory_space<hbm>> -> memref<128x128xf32, #tpu.memory_space<hbm>>
      %dma_start3A_41 = arith.constant 0 : i32
      %dma_start3A_42 = tpu.memref_slice %arg8[%arg0, %add3A_34, %dma_start3A_41] : memref<2x10240x128xf32, #tpu.memory_space<hbm>> -> memref<1x128x128xf32, #tpu.memory_space<hbm>>
      %dma_start3A_43 = tpu.memref_squeeze %dma_start3A_42 : memref<1x128x128xf32, #tpu.memory_space<hbm>> -> memref<128x128xf32, #tpu.memory_space<hbm>>
      tpu.enqueue_dma source(%arg16 : memref<128x128xf32, #tpu.memory_space<vmem>>) target(%dma_start3A_43 : memref<128x128xf32, #tpu.memory_space<hbm>>) target_semaphore(%run_scoped3A : memref<!tpu.dma_semaphore, #tpu.memory_space<semaphore_mem>>)
      %dma_wait3A = arith.constant 0 : i32
      %dma_wait3A_44 = tpu.memref_slice %arg8[%arg0, %add3A_34, %dma_wait3A] : memref<2x10240x128xf32, #tpu.memory_space<hbm>> -> memref<1x128x128xf32, #tpu.memory_space<hbm>>
      %dma_wait3A_45 = tpu.memref_squeeze %dma_wait3A_44 : memref<1x128x128xf32, #tpu.memory_space<hbm>> -> memref<128x128xf32, #tpu.memory_space<hbm>>
      %dma_wait3A_46 = arith.constant 0 : i32
      %dma_wait3A_47 = tpu.memref_slice %arg8[%arg0, %add3A_34, %dma_wait3A_46] : memref<2x10240x128xf32, #tpu.memory_space<hbm>> -> memref<1x128x128xf32, #tpu.memory_space<hbm>>
      %dma_wait3A_48 = tpu.memref_squeeze %dma_wait3A_47 : memref<1x128x128xf32, #tpu.memory_space<hbm>> -> memref<128x128xf32, #tpu.memory_space<hbm>>
      tpu.wait_dma2 semaphore(%run_scoped3A : memref<!tpu.dma_semaphore, #tpu.memory_space<semaphore_mem>>) src(%arg16 : memref<128x128xf32, #tpu.memory_space<vmem>>) dst(%dma_wait3A_48 : memref<128x128xf32, #tpu.memory_space<hbm>>)
      tpu.yield
    }) : () -> ()
    "tpu.region"() ({
      %run_scoped3A = tpu.sem_alloc : memref<!tpu.dma_semaphore, #tpu.memory_space<semaphore_mem>>
      %dma_start3A = arith.constant 0 : i32
      %dma_start3A_39 = tpu.memref_slice %arg11[%add3A_34, %dma_start3A] : memref<10240x16xf32, #tpu.memory_space<vmem_shared>> -> memref<128x16xf32, #tpu.memory_space<vmem_shared>>
      %dma_start3A_40 = arith.constant 0 : i32
      %dma_start3A_41 = tpu.memref_slice %arg11[%add3A_34, %dma_start3A_40] : memref<10240x16xf32, #tpu.memory_space<vmem_shared>> -> memref<128x16xf32, #tpu.memory_space<vmem_shared>>
      tpu.enqueue_dma source(%dma_start3A_41 : memref<128x16xf32, #tpu.memory_space<vmem_shared>>) target(%arg17 : memref<128x16xf32, #tpu.memory_space<vmem>>) target_semaphore(%run_scoped3A : memref<!tpu.dma_semaphore, #tpu.memory_space<semaphore_mem>>)
      %dma_wait3A = arith.constant 0 : i32
      %dma_wait3A_42 = tpu.memref_slice %arg11[%add3A_34, %dma_wait3A] : memref<10240x16xf32, #tpu.memory_space<vmem_shared>> -> memref<128x16xf32, #tpu.memory_space<vmem_shared>>
      %dma_wait3A_43 = arith.constant 0 : i32
      %dma_wait3A_44 = tpu.memref_slice %arg11[%add3A_34, %dma_wait3A_43] : memref<10240x16xf32, #tpu.memory_space<vmem_shared>> -> memref<128x16xf32, #tpu.memory_space<vmem_shared>>
      tpu.wait_dma2 semaphore(%run_scoped3A : memref<!tpu.dma_semaphore, #tpu.memory_space<semaphore_mem>>) src(%dma_wait3A_44 : memref<128x16xf32, #tpu.memory_space<vmem_shared>>) dst(%arg17 : memref<128x16xf32, #tpu.memory_space<vmem>>)
      tpu.yield
    }) : () -> ()
    "tpu.region"() ({
      %run_scoped3A = tpu.sem_alloc : memref<!tpu.dma_semaphore, #tpu.memory_space<semaphore_mem>>
      %dma_start3A = arith.constant 0 : i32
      %dma_start3A_39 = tpu.memref_slice %arg9[%arg0, %add3A_34, %dma_start3A] : memref<2x10240x16xf32, #tpu.memory_space<hbm>> -> memref<1x128x16xf32, #tpu.memory_space<hbm>>
      %dma_start3A_40 = tpu.memref_squeeze %dma_start3A_39 : memref<1x128x16xf32, #tpu.memory_space<hbm>> -> memref<128x16xf32, #tpu.memory_space<hbm>>
      %dma_start3A_41 = arith.constant 0 : i32
      %dma_start3A_42 = tpu.memref_slice %arg9[%arg0, %add3A_34, %dma_start3A_41] : memref<2x10240x16xf32, #tpu.memory_space<hbm>> -> memref<1x128x16xf32, #tpu.memory_space<hbm>>
      %dma_start3A_43 = tpu.memref_squeeze %dma_start3A_42 : memref<1x128x16xf32, #tpu.memory_space<hbm>> -> memref<128x16xf32, #tpu.memory_space<hbm>>
      tpu.enqueue_dma source(%arg17 : memref<128x16xf32, #tpu.memory_space<vmem>>) target(%dma_start3A_43 : memref<128x16xf32, #tpu.memory_space<hbm>>) target_semaphore(%run_scoped3A : memref<!tpu.dma_semaphore, #tpu.memory_space<semaphore_mem>>)
      %dma_wait3A = arith.constant 0 : i32
      %dma_wait3A_44 = tpu.memref_slice %arg9[%arg0, %add3A_34, %dma_wait3A] : memref<2x10240x16xf32, #tpu.memory_space<hbm>> -> memref<1x128x16xf32, #tpu.memory_space<hbm>>
      %dma_wait3A_45 = tpu.memref_squeeze %dma_wait3A_44 : memref<1x128x16xf32, #tpu.memory_space<hbm>> -> memref<128x16xf32, #tpu.memory_space<hbm>>
      %dma_wait3A_46 = arith.constant 0 : i32
      %dma_wait3A_47 = tpu.memref_slice %arg9[%arg0, %add3A_34, %dma_wait3A_46] : memref<2x10240x16xf32, #tpu.memory_space<hbm>> -> memref<1x128x16xf32, #tpu.memory_space<hbm>>
      %dma_wait3A_48 = tpu.memref_squeeze %dma_wait3A_47 : memref<1x128x16xf32, #tpu.memory_space<hbm>> -> memref<128x16xf32, #tpu.memory_space<hbm>>
      tpu.wait_dma2 semaphore(%run_scoped3A : memref<!tpu.dma_semaphore, #tpu.memory_space<semaphore_mem>>) src(%arg17 : memref<128x16xf32, #tpu.memory_space<vmem>>) dst(%dma_wait3A_48 : memref<128x16xf32, #tpu.memory_space<hbm>>)
      tpu.yield
    }) : () -> ()
    %add3A_35 = arith.constant 384 : i32
    %add3A_36 = arith.addi %multiple_of3A, %add3A_35 : i32
    "tpu.region"() ({
      %run_scoped3A = tpu.sem_alloc : memref<!tpu.dma_semaphore, #tpu.memory_space<semaphore_mem>>
      %dma_start3A = arith.constant 0 : i32
      %dma_start3A_39 = tpu.memref_slice %arg10[%add3A_36, %dma_start3A] : memref<10240x128xf32, #tpu.memory_space<vmem_shared>> -> memref<128x128xf32, #tpu.memory_space<vmem_shared>>
      %dma_start3A_40 = arith.constant 0 : i32
      %dma_start3A_41 = tpu.memref_slice %arg10[%add3A_36, %dma_start3A_40] : memref<10240x128xf32, #tpu.memory_space<vmem_shared>> -> memref<128x128xf32, #tpu.memory_space<vmem_shared>>
      tpu.enqueue_dma source(%dma_start3A_41 : memref<128x128xf32, #tpu.memory_space<vmem_shared>>) target(%arg16 : memref<128x128xf32, #tpu.memory_space<vmem>>) target_semaphore(%run_scoped3A : memref<!tpu.dma_semaphore, #tpu.memory_space<semaphore_mem>>)
      %dma_wait3A = arith.constant 0 : i32
      %dma_wait3A_42 = tpu.memref_slice %arg10[%add3A_36, %dma_wait3A] : memref<10240x128xf32, #tpu.memory_space<vmem_shared>> -> memref<128x128xf32, #tpu.memory_space<vmem_shared>>
      %dma_wait3A_43 = arith.constant 0 : i32
      %dma_wait3A_44 = tpu.memref_slice %arg10[%add3A_36, %dma_wait3A_43] : memref<10240x128xf32, #tpu.memory_space<vmem_shared>> -> memref<128x128xf32, #tpu.memory_space<vmem_shared>>
      tpu.wait_dma2 semaphore(%run_scoped3A : memref<!tpu.dma_semaphore, #tpu.memory_space<semaphore_mem>>) src(%dma_wait3A_44 : memref<128x128xf32, #tpu.memory_space<vmem_shared>>) dst(%arg16 : memref<128x128xf32, #tpu.memory_space<vmem>>)
      tpu.yield
    }) : () -> ()
    "tpu.region"() ({
      %run_scoped3A = tpu.sem_alloc : memref<!tpu.dma_semaphore, #tpu.memory_space<semaphore_mem>>
      %dma_start3A = arith.constant 0 : i32
      %dma_start3A_39 = tpu.memref_slice %arg8[%arg0, %add3A_36, %dma_start3A] : memref<2x10240x128xf32, #tpu.memory_space<hbm>> -> memref<1x128x128xf32, #tpu.memory_space<hbm>>
      %dma_start3A_40 = tpu.memref_squeeze %dma_start3A_39 : memref<1x128x128xf32, #tpu.memory_space<hbm>> -> memref<128x128xf32, #tpu.memory_space<hbm>>
      %dma_start3A_41 = arith.constant 0 : i32
      %dma_start3A_42 = tpu.memref_slice %arg8[%arg0, %add3A_36, %dma_start3A_41] : memref<2x10240x128xf32, #tpu.memory_space<hbm>> -> memref<1x128x128xf32, #tpu.memory_space<hbm>>
      %dma_start3A_43 = tpu.memref_squeeze %dma_start3A_42 : memref<1x128x128xf32, #tpu.memory_space<hbm>> -> memref<128x128xf32, #tpu.memory_space<hbm>>
      tpu.enqueue_dma source(%arg16 : memref<128x128xf32, #tpu.memory_space<vmem>>) target(%dma_start3A_43 : memref<128x128xf32, #tpu.memory_space<hbm>>) target_semaphore(%run_scoped3A : memref<!tpu.dma_semaphore, #tpu.memory_space<semaphore_mem>>)
      %dma_wait3A = arith.constant 0 : i32
      %dma_wait3A_44 = tpu.memref_slice %arg8[%arg0, %add3A_36, %dma_wait3A] : memref<2x10240x128xf32, #tpu.memory_space<hbm>> -> memref<1x128x128xf32, #tpu.memory_space<hbm>>
      %dma_wait3A_45 = tpu.memref_squeeze %dma_wait3A_44 : memref<1x128x128xf32, #tpu.memory_space<hbm>> -> memref<128x128xf32, #tpu.memory_space<hbm>>
      %dma_wait3A_46 = arith.constant 0 : i32
      %dma_wait3A_47 = tpu.memref_slice %arg8[%arg0, %add3A_36, %dma_wait3A_46] : memref<2x10240x128xf32, #tpu.memory_space<hbm>> -> memref<1x128x128xf32, #tpu.memory_space<hbm>>
      %dma_wait3A_48 = tpu.memref_squeeze %dma_wait3A_47 : memref<1x128x128xf32, #tpu.memory_space<hbm>> -> memref<128x128xf32, #tpu.memory_space<hbm>>
      tpu.wait_dma2 semaphore(%run_scoped3A : memref<!tpu.dma_semaphore, #tpu.memory_space<semaphore_mem>>) src(%arg16 : memref<128x128xf32, #tpu.memory_space<vmem>>) dst(%dma_wait3A_48 : memref<128x128xf32, #tpu.memory_space<hbm>>)
      tpu.yield
    }) : () -> ()
    "tpu.region"() ({
      %run_scoped3A = tpu.sem_alloc : memref<!tpu.dma_semaphore, #tpu.memory_space<semaphore_mem>>
      %dma_start3A = arith.constant 0 : i32
      %dma_start3A_39 = tpu.memref_slice %arg11[%add3A_36, %dma_start3A] : memref<10240x16xf32, #tpu.memory_space<vmem_shared>> -> memref<128x16xf32, #tpu.memory_space<vmem_shared>>
      %dma_start3A_40 = arith.constant 0 : i32
      %dma_start3A_41 = tpu.memref_slice %arg11[%add3A_36, %dma_start3A_40] : memref<10240x16xf32, #tpu.memory_space<vmem_shared>> -> memref<128x16xf32, #tpu.memory_space<vmem_shared>>
      tpu.enqueue_dma source(%dma_start3A_41 : memref<128x16xf32, #tpu.memory_space<vmem_shared>>) target(%arg17 : memref<128x16xf32, #tpu.memory_space<vmem>>) target_semaphore(%run_scoped3A : memref<!tpu.dma_semaphore, #tpu.memory_space<semaphore_mem>>)
      %dma_wait3A = arith.constant 0 : i32
      %dma_wait3A_42 = tpu.memref_slice %arg11[%add3A_36, %dma_wait3A] : memref<10240x16xf32, #tpu.memory_space<vmem_shared>> -> memref<128x16xf32, #tpu.memory_space<vmem_shared>>
      %dma_wait3A_43 = arith.constant 0 : i32
      %dma_wait3A_44 = tpu.memref_slice %arg11[%add3A_36, %dma_wait3A_43] : memref<10240x16xf32, #tpu.memory_space<vmem_shared>> -> memref<128x16xf32, #tpu.memory_space<vmem_shared>>
      tpu.wait_dma2 semaphore(%run_scoped3A : memref<!tpu.dma_semaphore, #tpu.memory_space<semaphore_mem>>) src(%dma_wait3A_44 : memref<128x16xf32, #tpu.memory_space<vmem_shared>>) dst(%arg17 : memref<128x16xf32, #tpu.memory_space<vmem>>)
      tpu.yield
    }) : () -> ()
    "tpu.region"() ({
      %run_scoped3A = tpu.sem_alloc : memref<!tpu.dma_semaphore, #tpu.memory_space<semaphore_mem>>
      %dma_start3A = arith.constant 0 : i32
      %dma_start3A_39 = tpu.memref_slice %arg9[%arg0, %add3A_36, %dma_start3A] : memref<2x10240x16xf32, #tpu.memory_space<hbm>> -> memref<1x128x16xf32, #tpu.memory_space<hbm>>
      %dma_start3A_40 = tpu.memref_squeeze %dma_start3A_39 : memref<1x128x16xf32, #tpu.memory_space<hbm>> -> memref<128x16xf32, #tpu.memory_space<hbm>>
      %dma_start3A_41 = arith.constant 0 : i32
      %dma_start3A_42 = tpu.memref_slice %arg9[%arg0, %add3A_36, %dma_start3A_41] : memref<2x10240x16xf32, #tpu.memory_space<hbm>> -> memref<1x128x16xf32, #tpu.memory_space<hbm>>
      %dma_start3A_43 = tpu.memref_squeeze %dma_start3A_42 : memref<1x128x16xf32, #tpu.memory_space<hbm>> -> memref<128x16xf32, #tpu.memory_space<hbm>>
      tpu.enqueue_dma source(%arg17 : memref<128x16xf32, #tpu.memory_space<vmem>>) target(%dma_start3A_43 : memref<128x16xf32, #tpu.memory_space<hbm>>) target_semaphore(%run_scoped3A : memref<!tpu.dma_semaphore, #tpu.memory_space<semaphore_mem>>)
      %dma_wait3A = arith.constant 0 : i32
      %dma_wait3A_44 = tpu.memref_slice %arg9[%arg0, %add3A_36, %dma_wait3A] : memref<2x10240x16xf32, #tpu.memory_space<hbm>> -> memref<1x128x16xf32, #tpu.memory_space<hbm>>
      %dma_wait3A_45 = tpu.memref_squeeze %dma_wait3A_44 : memref<1x128x16xf32, #tpu.memory_space<hbm>> -> memref<128x16xf32, #tpu.memory_space<hbm>>
      %dma_wait3A_46 = arith.constant 0 : i32
      %dma_wait3A_47 = tpu.memref_slice %arg9[%arg0, %add3A_36, %dma_wait3A_46] : memref<2x10240x16xf32, #tpu.memory_space<hbm>> -> memref<1x128x16xf32, #tpu.memory_space<hbm>>
      %dma_wait3A_48 = tpu.memref_squeeze %dma_wait3A_47 : memref<1x128x16xf32, #tpu.memory_space<hbm>> -> memref<128x16xf32, #tpu.memory_space<hbm>>
      tpu.wait_dma2 semaphore(%run_scoped3A : memref<!tpu.dma_semaphore, #tpu.memory_space<semaphore_mem>>) src(%arg17 : memref<128x16xf32, #tpu.memory_space<vmem>>) dst(%dma_wait3A_48 : memref<128x16xf32, #tpu.memory_space<hbm>>)
      tpu.yield
    }) : () -> ()
    %add3A_37 = arith.constant 512 : i32
    %add3A_38 = arith.addi %multiple_of3A, %add3A_37 : i32
    "tpu.region"() ({
      %run_scoped3A = tpu.sem_alloc : memref<!tpu.dma_semaphore, #tpu.memory_space<semaphore_mem>>
      %dma_start3A = arith.constant 0 : i32
      %dma_start3A_39 = tpu.memref_slice %arg10[%add3A_38, %dma_start3A] : memref<10240x128xf32, #tpu.memory_space<vmem_shared>> -> memref<128x128xf32, #tpu.memory_space<vmem_shared>>
      %dma_start3A_40 = arith.constant 0 : i32
      %dma_start3A_41 = tpu.memref_slice %arg10[%add3A_38, %dma_start3A_40] : memref<10240x128xf32, #tpu.memory_space<vmem_shared>> -> memref<128x128xf32, #tpu.memory_space<vmem_shared>>
      tpu.enqueue_dma source(%dma_start3A_41 : memref<128x128xf32, #tpu.memory_space<vmem_shared>>) target(%arg16 : memref<128x128xf32, #tpu.memory_space<vmem>>) target_semaphore(%run_scoped3A : memref<!tpu.dma_semaphore, #tpu.memory_space<semaphore_mem>>)
      %dma_wait3A = arith.constant 0 : i32
      %dma_wait3A_42 = tpu.memref_slice %arg10[%add3A_38, %dma_wait3A] : memref<10240x128xf32, #tpu.memory_space<vmem_shared>> -> memref<128x128xf32, #tpu.memory_space<vmem_shared>>
      %dma_wait3A_43 = arith.constant 0 : i32
      %dma_wait3A_44 = tpu.memref_slice %arg10[%add3A_38, %dma_wait3A_43] : memref<10240x128xf32, #tpu.memory_space<vmem_shared>> -> memref<128x128xf32, #tpu.memory_space<vmem_shared>>
      tpu.wait_dma2 semaphore(%run_scoped3A : memref<!tpu.dma_semaphore, #tpu.memory_space<semaphore_mem>>) src(%dma_wait3A_44 : memref<128x128xf32, #tpu.memory_space<vmem_shared>>) dst(%arg16 : memref<128x128xf32, #tpu.memory_space<vmem>>)
      tpu.yield
    }) : () -> ()
    "tpu.region"() ({
      %run_scoped3A = tpu.sem_alloc : memref<!tpu.dma_semaphore, #tpu.memory_space<semaphore_mem>>
      %dma_start3A = arith.constant 0 : i32
      %dma_start3A_39 = tpu.memref_slice %arg8[%arg0, %add3A_38, %dma_start3A] : memref<2x10240x128xf32, #tpu.memory_space<hbm>> -> memref<1x128x128xf32, #tpu.memory_space<hbm>>
      %dma_start3A_40 = tpu.memref_squeeze %dma_start3A_39 : memref<1x128x128xf32, #tpu.memory_space<hbm>> -> memref<128x128xf32, #tpu.memory_space<hbm>>
      %dma_start3A_41 = arith.constant 0 : i32
      %dma_start3A_42 = tpu.memref_slice %arg8[%arg0, %add3A_38, %dma_start3A_41] : memref<2x10240x128xf32, #tpu.memory_space<hbm>> -> memref<1x128x128xf32, #tpu.memory_space<hbm>>
      %dma_start3A_43 = tpu.memref_squeeze %dma_start3A_42 : memref<1x128x128xf32, #tpu.memory_space<hbm>> -> memref<128x128xf32, #tpu.memory_space<hbm>>
      tpu.enqueue_dma source(%arg16 : memref<128x128xf32, #tpu.memory_space<vmem>>) target(%dma_start3A_43 : memref<128x128xf32, #tpu.memory_space<hbm>>) target_semaphore(%run_scoped3A : memref<!tpu.dma_semaphore, #tpu.memory_space<semaphore_mem>>)
      %dma_wait3A = arith.constant 0 : i32
      %dma_wait3A_44 = tpu.memref_slice %arg8[%arg0, %add3A_38, %dma_wait3A] : memref<2x10240x128xf32, #tpu.memory_space<hbm>> -> memref<1x128x128xf32, #tpu.memory_space<hbm>>
      %dma_wait3A_45 = tpu.memref_squeeze %dma_wait3A_44 : memref<1x128x128xf32, #tpu.memory_space<hbm>> -> memref<128x128xf32, #tpu.memory_space<hbm>>
      %dma_wait3A_46 = arith.constant 0 : i32
      %dma_wait3A_47 = tpu.memref_slice %arg8[%arg0, %add3A_38, %dma_wait3A_46] : memref<2x10240x128xf32, #tpu.memory_space<hbm>> -> memref<1x128x128xf32, #tpu.memory_space<hbm>>
      %dma_wait3A_48 = tpu.memref_squeeze %dma_wait3A_47 : memref<1x128x128xf32, #tpu.memory_space<hbm>> -> memref<128x128xf32, #tpu.memory_space<hbm>>
      tpu.wait_dma2 semaphore(%run_scoped3A : memref<!tpu.dma_semaphore, #tpu.memory_space<semaphore_mem>>) src(%arg16 : memref<128x128xf32, #tpu.memory_space<vmem>>) dst(%dma_wait3A_48 : memref<128x128xf32, #tpu.memory_space<hbm>>)
      tpu.yield
    }) : () -> ()
    "tpu.region"() ({
      %run_scoped3A = tpu.sem_alloc : memref<!tpu.dma_semaphore, #tpu.memory_space<semaphore_mem>>
      %dma_start3A = arith.constant 0 : i32
      %dma_start3A_39 = tpu.memref_slice %arg11[%add3A_38, %dma_start3A] : memref<10240x16xf32, #tpu.memory_space<vmem_shared>> -> memref<128x16xf32, #tpu.memory_space<vmem_shared>>
      %dma_start3A_40 = arith.constant 0 : i32
      %dma_start3A_41 = tpu.memref_slice %arg11[%add3A_38, %dma_start3A_40] : memref<10240x16xf32, #tpu.memory_space<vmem_shared>> -> memref<128x16xf32, #tpu.memory_space<vmem_shared>>
      tpu.enqueue_dma source(%dma_start3A_41 : memref<128x16xf32, #tpu.memory_space<vmem_shared>>) target(%arg17 : memref<128x16xf32, #tpu.memory_space<vmem>>) target_semaphore(%run_scoped3A : memref<!tpu.dma_semaphore, #tpu.memory_space<semaphore_mem>>)
      %dma_wait3A = arith.constant 0 : i32
      %dma_wait3A_42 = tpu.memref_slice %arg11[%add3A_38, %dma_wait3A] : memref<10240x16xf32, #tpu.memory_space<vmem_shared>> -> memref<128x16xf32, #tpu.memory_space<vmem_shared>>
      %dma_wait3A_43 = arith.constant 0 : i32
      %dma_wait3A_44 = tpu.memref_slice %arg11[%add3A_38, %dma_wait3A_43] : memref<10240x16xf32, #tpu.memory_space<vmem_shared>> -> memref<128x16xf32, #tpu.memory_space<vmem_shared>>
      tpu.wait_dma2 semaphore(%run_scoped3A : memref<!tpu.dma_semaphore, #tpu.memory_space<semaphore_mem>>) src(%dma_wait3A_44 : memref<128x16xf32, #tpu.memory_space<vmem_shared>>) dst(%arg17 : memref<128x16xf32, #tpu.memory_space<vmem>>)
      tpu.yield
    }) : () -> ()
    "tpu.region"() ({
      %run_scoped3A = tpu.sem_alloc : memref<!tpu.dma_semaphore, #tpu.memory_space<semaphore_mem>>
      %dma_start3A = arith.constant 0 : i32
      %dma_start3A_39 = tpu.memref_slice %arg9[%arg0, %add3A_38, %dma_start3A] : memref<2x10240x16xf32, #tpu.memory_space<hbm>> -> memref<1x128x16xf32, #tpu.memory_space<hbm>>
      %dma_start3A_40 = tpu.memref_squeeze %dma_start3A_39 : memref<1x128x16xf32, #tpu.memory_space<hbm>> -> memref<128x16xf32, #tpu.memory_space<hbm>>
      %dma_start3A_41 = arith.constant 0 : i32
      %dma_start3A_42 = tpu.memref_slice %arg9[%arg0, %add3A_38, %dma_start3A_41] : memref<2x10240x16xf32, #tpu.memory_space<hbm>> -> memref<1x128x16xf32, #tpu.memory_space<hbm>>
      %dma_start3A_43 = tpu.memref_squeeze %dma_start3A_42 : memref<1x128x16xf32, #tpu.memory_space<hbm>> -> memref<128x16xf32, #tpu.memory_space<hbm>>
      tpu.enqueue_dma source(%arg17 : memref<128x16xf32, #tpu.memory_space<vmem>>) target(%dma_start3A_43 : memref<128x16xf32, #tpu.memory_space<hbm>>) target_semaphore(%run_scoped3A : memref<!tpu.dma_semaphore, #tpu.memory_space<semaphore_mem>>)
      %dma_wait3A = arith.constant 0 : i32
      %dma_wait3A_44 = tpu.memref_slice %arg9[%arg0, %add3A_38, %dma_wait3A] : memref<2x10240x16xf32, #tpu.memory_space<hbm>> -> memref<1x128x16xf32, #tpu.memory_space<hbm>>
      %dma_wait3A_45 = tpu.memref_squeeze %dma_wait3A_44 : memref<1x128x16xf32, #tpu.memory_space<hbm>> -> memref<128x16xf32, #tpu.memory_space<hbm>>
      %dma_wait3A_46 = arith.constant 0 : i32
      %dma_wait3A_47 = tpu.memref_slice %arg9[%arg0, %add3A_38, %dma_wait3A_46] : memref<2x10240x16xf32, #tpu.memory_space<hbm>> -> memref<1x128x16xf32, #tpu.memory_space<hbm>>
      %dma_wait3A_48 = tpu.memref_squeeze %dma_wait3A_47 : memref<1x128x16xf32, #tpu.memory_space<hbm>> -> memref<128x16xf32, #tpu.memory_space<hbm>>
      tpu.wait_dma2 semaphore(%run_scoped3A : memref<!tpu.dma_semaphore, #tpu.memory_space<semaphore_mem>>) src(%arg17 : memref<128x16xf32, #tpu.memory_space<vmem>>) dst(%dma_wait3A_48 : memref<128x16xf32, #tpu.memory_space<hbm>>)
      tpu.yield
    }) : () -> ()
    return
  }
}

module attributes {stable_mosaic.version = 14 : i64} {
  func.func @_dense1_body(%arg0: memref<2x10240x128xf32, #tpu.memory_space<vmem>>, %arg1: memref<2x10240x16xf32, #tpu.memory_space<vmem>>, %arg2: memref<10000x128xf32, #tpu.memory_space<vmem>>, %arg3: memref<128x128xf32, #tpu.memory_space<vmem>>, %arg4: memref<1x128xf32, #tpu.memory_space<vmem>>, %arg5: memref<128x128xf32, #tpu.memory_space<vmem>>, %arg6: memref<1x128xf32, #tpu.memory_space<vmem>>, %arg7: memref<1x128xf32, #tpu.memory_space<vmem>>, %arg8: memref<1x128xf32, #tpu.memory_space<vmem>>, %arg9: memref<128x128xf32, #tpu.memory_space<vmem>>, %arg10: memref<10000x128xf32, #tpu.memory_space<vmem>>, %arg11: memref<10000x128xf32, #tpu.memory_space<vmem>>) attributes {dimension_semantics = [], scalar_prefetch = 0 : i64, scratch_operands = 0 : i64, tpu.core_type = #tpu.core_type<tc>} {
    %get3A = arith.constant 0 : index
    %get3A_0 = arith.constant 0 : index
    %get3A_1 = arith.constant 0 : index
    %get3A_2 = vector.load %arg1[%get3A, %get3A_0, %get3A_1] : memref<2x10240x16xf32, #tpu.memory_space<vmem>>, vector<1x10240x1xf32>
    %get3A_3 = vector.shape_cast %get3A_2 : vector<1x10240x1xf32> to vector<10240x1xf32>
    %get3A_4 = arith.constant 1 : index
    %get3A_5 = arith.constant 0 : index
    %get3A_6 = arith.constant 0 : index
    %get3A_7 = vector.load %arg1[%get3A_4, %get3A_5, %get3A_6] : memref<2x10240x16xf32, #tpu.memory_space<vmem>>, vector<1x10240x1xf32>
    %get3A_8 = vector.shape_cast %get3A_7 : vector<1x10240x1xf32> to vector<10240x1xf32>
    %add3A = arith.addf %get3A_3, %get3A_8 : vector<10240x1xf32>
    %slice3A = vector.extract_strided_slice %add3A {offsets = [0, 0], sizes = [10000, 1], strides = [1, 1]} : vector<10240x1xf32> to vector<10000x1xf32>
    %max3A = arith.constant 1.000000e+00 : f32
    %max3A_9 = vector.broadcast %max3A : f32 to vector<10000x1xf32>
    %max3A_10 = arith.maximumf %slice3A, %max3A_9 : vector<10000x1xf32>
    %get3A_11 = arith.constant 0 : index
    %get3A_12 = arith.constant 0 : index
    %get3A_13 = arith.constant 0 : index
    %get3A_14 = vector.load %arg0[%get3A_11, %get3A_12, %get3A_13] : memref<2x10240x128xf32, #tpu.memory_space<vmem>>, vector<1x10240x128xf32>
    %get3A_15 = vector.shape_cast %get3A_14 : vector<1x10240x128xf32> to vector<10240x128xf32>
    %get3A_16 = arith.constant 1 : index
    %get3A_17 = arith.constant 0 : index
    %get3A_18 = arith.constant 0 : index
    %get3A_19 = vector.load %arg0[%get3A_16, %get3A_17, %get3A_18] : memref<2x10240x128xf32, #tpu.memory_space<vmem>>, vector<1x10240x128xf32>
    %get3A_20 = vector.shape_cast %get3A_19 : vector<1x10240x128xf32> to vector<10240x128xf32>
    %add3A_21 = arith.addf %get3A_15, %get3A_20 : vector<10240x128xf32>
    %slice3A_22 = vector.extract_strided_slice %add3A_21 {offsets = [0, 0], sizes = [10000, 128], strides = [1, 1]} : vector<10240x128xf32> to vector<10000x128xf32>
    %div3A = vector.broadcast %max3A_10 : vector<10000x1xf32> to vector<10000x128xf32>
    %div3A_23 = arith.divf %slice3A_22, %div3A : vector<10000x128xf32>
    %get3A_24 = arith.constant 0 : index
    %get3A_25 = arith.constant 0 : index
    %get3A_26 = vector.load %arg3[%get3A_24, %get3A_25] : memref<128x128xf32, #tpu.memory_space<vmem>>, vector<128x128xf32>
    %dot_general3A = arith.constant dense<0.000000e+00> : vector<10000x128xf32>
    %dot_general3A_27 = tpu.matmul %div3A_23, %get3A_26, %dot_general3A {dimension_numbers = #tpu.dot_dimension_numbers<[1], [1], [0], [0], [0, 0, 1, 0], [], []>, transpose_lhs_hint = false} : vector<10000x128xf32>, vector<128x128xf32>, vector<10000x128xf32> -> vector<10000x128xf32>
    %get3A_28 = arith.constant 0 : index
    %get3A_29 = arith.constant 0 : index
    %get3A_30 = vector.load %arg4[%get3A_28, %get3A_29] : memref<1x128xf32, #tpu.memory_space<vmem>>, vector<1x128xf32>
    %add3A_31 = vector.broadcast %get3A_30 : vector<1x128xf32> to vector<10000x128xf32>
    %add3A_32 = arith.addf %dot_general3A_27, %add3A_31 : vector<10000x128xf32>
    %get3A_33 = arith.constant 0 : index
    %get3A_34 = arith.constant 0 : index
    %get3A_35 = vector.load %arg2[%get3A_33, %get3A_34] : memref<10000x128xf32, #tpu.memory_space<vmem>>, vector<10000x128xf32>
    %get3A_36 = arith.constant 0 : index
    %get3A_37 = arith.constant 0 : index
    %get3A_38 = vector.load %arg5[%get3A_36, %get3A_37] : memref<128x128xf32, #tpu.memory_space<vmem>>, vector<128x128xf32>
    %dot_general3A_39 = arith.constant dense<0.000000e+00> : vector<10000x128xf32>
    %dot_general3A_40 = tpu.matmul %get3A_35, %get3A_38, %dot_general3A_39 {dimension_numbers = #tpu.dot_dimension_numbers<[1], [1], [0], [0], [0, 0, 1, 0], [], []>, transpose_lhs_hint = false} : vector<10000x128xf32>, vector<128x128xf32>, vector<10000x128xf32> -> vector<10000x128xf32>
    %add3A_41 = arith.addf %add3A_32, %dot_general3A_40 : vector<10000x128xf32>
    %max3A_42 = arith.constant 0.000000e+00 : f32
    %max3A_43 = vector.broadcast %max3A_42 : f32 to vector<10000x128xf32>
    %max3A_44 = arith.maximumf %add3A_41, %max3A_43 : vector<10000x128xf32>
    %reduce_sum3A = arith.constant dense<0.000000e+00> : vector<128xf32>
    %reduce_sum3A_45 = vector.multi_reduction <add>, %max3A_44, %reduce_sum3A [0] : vector<10000x128xf32> to vector<128xf32>
    %broadcast_in_dim3A = vector.shape_cast %reduce_sum3A_45 : vector<128xf32> to vector<1x128xf32>
    %div3A_46 = arith.constant 1.000000e+04 : f32
    %div3A_47 = vector.broadcast %div3A_46 : f32 to vector<1x128xf32>
    %div3A_48 = arith.divf %broadcast_in_dim3A, %div3A_47 : vector<1x128xf32>
    %get3A_49 = arith.constant 0 : index
    %get3A_50 = arith.constant 0 : index
    %get3A_51 = vector.load %arg8[%get3A_49, %get3A_50] : memref<1x128xf32, #tpu.memory_space<vmem>>, vector<1x128xf32>
    %mul3A = arith.mulf %get3A_51, %div3A_48 : vector<1x128xf32>
    %sub3A = vector.broadcast %mul3A : vector<1x128xf32> to vector<10000x128xf32>
    %sub3A_52 = arith.subf %max3A_44, %sub3A : vector<10000x128xf32>
    %mul3A_53 = arith.mulf %sub3A_52, %sub3A_52 : vector<10000x128xf32>
    %reduce_sum3A_54 = arith.constant dense<0.000000e+00> : vector<128xf32>
    %reduce_sum3A_55 = vector.multi_reduction <add>, %mul3A_53, %reduce_sum3A_54 [0] : vector<10000x128xf32> to vector<128xf32>
    %broadcast_in_dim3A_56 = vector.shape_cast %reduce_sum3A_55 : vector<128xf32> to vector<1x128xf32>
    %div3A_57 = arith.constant 1.000000e+04 : f32
    %div3A_58 = vector.broadcast %div3A_57 : f32 to vector<1x128xf32>
    %div3A_59 = arith.divf %broadcast_in_dim3A_56, %div3A_58 : vector<1x128xf32>
    %get3A_60 = arith.constant 0 : index
    %get3A_61 = arith.constant 0 : index
    %get3A_62 = vector.load %arg6[%get3A_60, %get3A_61] : memref<1x128xf32, #tpu.memory_space<vmem>>, vector<1x128xf32>
    %mul3A_63 = vector.broadcast %get3A_62 : vector<1x128xf32> to vector<10000x128xf32>
    %mul3A_64 = arith.mulf %mul3A_63, %sub3A_52 : vector<10000x128xf32>
    %add3A_65 = arith.constant 9.99999974E-6 : f32
    %add3A_66 = vector.broadcast %add3A_65 : f32 to vector<1x128xf32>
    %add3A_67 = arith.addf %div3A_59, %add3A_66 : vector<1x128xf32>
    %sqrt3A = math.sqrt %add3A_67 : vector<1x128xf32>
    %div3A_68 = vector.broadcast %sqrt3A : vector<1x128xf32> to vector<10000x128xf32>
    %div3A_69 = arith.divf %mul3A_64, %div3A_68 : vector<10000x128xf32>
    %get3A_70 = arith.constant 0 : index
    %get3A_71 = arith.constant 0 : index
    %get3A_72 = vector.load %arg7[%get3A_70, %get3A_71] : memref<1x128xf32, #tpu.memory_space<vmem>>, vector<1x128xf32>
    %add3A_73 = vector.broadcast %get3A_72 : vector<1x128xf32> to vector<10000x128xf32>
    %add3A_74 = arith.addf %div3A_69, %add3A_73 : vector<10000x128xf32>
    %swap3A = arith.constant 0 : index
    %swap3A_75 = arith.constant 0 : index
    %swap3A_76 = vector.load %arg10[%swap3A, %swap3A_75] : memref<10000x128xf32, #tpu.memory_space<vmem>>, vector<10000x128xf32>
    tpu.vector_store %arg10[%swap3A, %swap3A_75], %add3A_74 {strides = array<i32>} : memref<10000x128xf32, #tpu.memory_space<vmem>>, vector<10000x128xf32>,
    %get3A_77 = arith.constant 0 : index
    %get3A_78 = arith.constant 0 : index
    %get3A_79 = vector.load %arg9[%get3A_77, %get3A_78] : memref<128x128xf32, #tpu.memory_space<vmem>>, vector<128x128xf32>
    %dot_general3A_80 = arith.constant dense<0.000000e+00> : vector<10000x128xf32>
    %dot_general3A_81 = tpu.matmul %add3A_74, %get3A_79, %dot_general3A_80 {dimension_numbers = #tpu.dot_dimension_numbers<[1], [1], [0], [0], [0, 0, 1, 0], [], []>, transpose_lhs_hint = false} : vector<10000x128xf32>, vector<128x128xf32>, vector<10000x128xf32> -> vector<10000x128xf32>
    %swap3A_82 = arith.constant 0 : index
    %swap3A_83 = arith.constant 0 : index
    %swap3A_84 = vector.load %arg11[%swap3A_82, %swap3A_83] : memref<10000x128xf32, #tpu.memory_space<vmem>>, vector<10000x128xf32>
    tpu.vector_store %arg11[%swap3A_82, %swap3A_83], %dot_general3A_81 {strides = array<i32>} : memref<10000x128xf32, #tpu.memory_space<vmem>>, vector<10000x128xf32>,
    return
  }
}

module attributes {stable_mosaic.version = 14 : i64} {
  func.func @_dense2_body(%arg0: memref<2x10240x128xf32, #tpu.memory_space<vmem>>, %arg1: memref<2x10240x16xf32, #tpu.memory_space<vmem>>, %arg2: memref<10000x128xf32, #tpu.memory_space<vmem>>, %arg3: memref<128x128xf32, #tpu.memory_space<vmem>>, %arg4: memref<1x128xf32, #tpu.memory_space<vmem>>, %arg5: memref<10000x128xf32, #tpu.memory_space<vmem>>) attributes {dimension_semantics = [], scalar_prefetch = 0 : i64, scratch_operands = 0 : i64, tpu.core_type = #tpu.core_type<tc>} {
    %get3A = arith.constant 0 : index
    %get3A_0 = arith.constant 0 : index
    %get3A_1 = arith.constant 0 : index
    %get3A_2 = vector.load %arg1[%get3A, %get3A_0, %get3A_1] : memref<2x10240x16xf32, #tpu.memory_space<vmem>>, vector<1x10240x1xf32>
    %get3A_3 = vector.shape_cast %get3A_2 : vector<1x10240x1xf32> to vector<10240x1xf32>
    %get3A_4 = arith.constant 1 : index
    %get3A_5 = arith.constant 0 : index
    %get3A_6 = arith.constant 0 : index
    %get3A_7 = vector.load %arg1[%get3A_4, %get3A_5, %get3A_6] : memref<2x10240x16xf32, #tpu.memory_space<vmem>>, vector<1x10240x1xf32>
    %get3A_8 = vector.shape_cast %get3A_7 : vector<1x10240x1xf32> to vector<10240x1xf32>
    %add3A = arith.addf %get3A_3, %get3A_8 : vector<10240x1xf32>
    %slice3A = vector.extract_strided_slice %add3A {offsets = [0, 0], sizes = [10000, 1], strides = [1, 1]} : vector<10240x1xf32> to vector<10000x1xf32>
    %max3A = arith.constant 1.000000e+00 : f32
    %max3A_9 = vector.broadcast %max3A : f32 to vector<10000x1xf32>
    %max3A_10 = arith.maximumf %slice3A, %max3A_9 : vector<10000x1xf32>
    %get3A_11 = arith.constant 0 : index
    %get3A_12 = arith.constant 0 : index
    %get3A_13 = arith.constant 0 : index
    %get3A_14 = vector.load %arg0[%get3A_11, %get3A_12, %get3A_13] : memref<2x10240x128xf32, #tpu.memory_space<vmem>>, vector<1x10240x128xf32>
    %get3A_15 = vector.shape_cast %get3A_14 : vector<1x10240x128xf32> to vector<10240x128xf32>
    %get3A_16 = arith.constant 1 : index
    %get3A_17 = arith.constant 0 : index
    %get3A_18 = arith.constant 0 : index
    %get3A_19 = vector.load %arg0[%get3A_16, %get3A_17, %get3A_18] : memref<2x10240x128xf32, #tpu.memory_space<vmem>>, vector<1x10240x128xf32>
    %get3A_20 = vector.shape_cast %get3A_19 : vector<1x10240x128xf32> to vector<10240x128xf32>
    %add3A_21 = arith.addf %get3A_15, %get3A_20 : vector<10240x128xf32>
    %slice3A_22 = vector.extract_strided_slice %add3A_21 {offsets = [0, 0], sizes = [10000, 128], strides = [1, 1]} : vector<10240x128xf32> to vector<10000x128xf32>
    %div3A = vector.broadcast %max3A_10 : vector<10000x1xf32> to vector<10000x128xf32>
    %div3A_23 = arith.divf %slice3A_22, %div3A : vector<10000x128xf32>
    %get3A_24 = arith.constant 0 : index
    %get3A_25 = arith.constant 0 : index
    %get3A_26 = vector.load %arg3[%get3A_24, %get3A_25] : memref<128x128xf32, #tpu.memory_space<vmem>>, vector<128x128xf32>
    %dot_general3A = arith.constant dense<0.000000e+00> : vector<10000x128xf32>
    %dot_general3A_27 = tpu.matmul %div3A_23, %get3A_26, %dot_general3A {dimension_numbers = #tpu.dot_dimension_numbers<[1], [1], [0], [0], [0, 0, 1, 0], [], []>, transpose_lhs_hint = false} : vector<10000x128xf32>, vector<128x128xf32>, vector<10000x128xf32> -> vector<10000x128xf32>
    %get3A_28 = arith.constant 0 : index
    %get3A_29 = arith.constant 0 : index
    %get3A_30 = vector.load %arg4[%get3A_28, %get3A_29] : memref<1x128xf32, #tpu.memory_space<vmem>>, vector<1x128xf32>
    %add3A_31 = vector.broadcast %get3A_30 : vector<1x128xf32> to vector<10000x128xf32>
    %add3A_32 = arith.addf %dot_general3A_27, %add3A_31 : vector<10000x128xf32>
    %get3A_33 = arith.constant 0 : index
    %get3A_34 = arith.constant 0 : index
    %get3A_35 = vector.load %arg2[%get3A_33, %get3A_34] : memref<10000x128xf32, #tpu.memory_space<vmem>>, vector<10000x128xf32>
    %add3A_36 = arith.addf %add3A_32, %get3A_35 : vector<10000x128xf32>
    %swap3A = arith.constant 0 : index
    %swap3A_37 = arith.constant 0 : index
    %swap3A_38 = vector.load %arg5[%swap3A, %swap3A_37] : memref<10000x128xf32, #tpu.memory_space<vmem>>, vector<10000x128xf32>
    tpu.vector_store %arg5[%swap3A, %swap3A_37], %add3A_36 {strides = array<i32>} : memref<10000x128xf32, #tpu.memory_space<vmem>>, vector<10000x128xf32>,
    return
  }
}

</mosaic_0001>

<sc_bundles>
// kernel: kernel.6.cloned.1.call-start
scs
__scs_entry_jumppad:
0x0: {  	(pc) =	sbr.rel $0x88, $3  }
0x1: {  	(tag) =	ssettag $0x0;
	lr =	simm.s32 $0x1  }
0x2: {  	[smem:$0x3F96] =	sst lr;
	_ =	strace $0xD0000000  }
0x3: {  	_ = 	snop  }
0x4: {  	_ = 	snop  }
0x5: {  	_ = 	snop  }
0x6: {  	_ = 	snop  }
0x7: {  	_ = 	snop  }
__scs_overlays_trampoline_lowered:
0x8: {  	[smem:$0x3FA5] =	sst s0  }
0x9: {  	[smem:$0x3FA6] =	sst s1  }
0xa: {  	[smem:$0x3FA7] =	sst s2  }
0xb: {  	[smem:$0x3FA8] =	sst s3  }
0xc: {  	[smem:$0x3FA9] =	sst s4  }
0xd: {  	[smem:$0x3FAA] =	sst s5  }
0xe: {  	[smem:$0x3FAB] =	sst s6  }
0xf: {  	[smem:$0x3FAC] =	sst s7  }
0x10: {  	[smem:$0x3FAD] =	sst s8  }
0x11: {  	[smem:$0x3FAE] =	sst s9;
	s0 =	simm.s32 @!p0 $0x0  }
0x12: {  	s1 =	sld [smem:$0x3F94];
	s0 =	simm.s32 @p0 $0x1  }
0x13: {  	[smem:$0x3FAF] =	sst s0;
	s0 =	simm.s32 @!p1 $0x0  }
0x14: {  	s2 =	sld [smem:$0x3F93];
	s0 =	simm.s32 @p1 $0x1  }
0x15: {  	[smem:$0x3FB0] =	sst s0;
	s0 =	simm.s32 @!p2 $0x0  }
0x16: {  	s3 =	sld [smem:$0x3FDB];
	s0 =	simm.s32 @p2 $0x1  }
0x17: {  	s4 =	simm.s32 $0x1BF5;
	[smem:$0x3FB2] =	sst s0  }
0x18: {  	s0 =	sld [smem:$0x3F95];
	_ =	swait.ge [sflag:s4], $0x0  }
0x19: {  	s7 =	sld [smem:$0x3F96]  }
0x1a: {  	s8 =	sadd.s32 $0xFFFFE003, lr  }
0x1b: {  	s9 =	sadd.s32 $0xFFFFFEF7, lr;
	s5 =	simm.s32 $0xFFFFFFFF;
	p2 =	slt.u32 s8, $0xFFFFF086  }
0x1c: {  	p1 =	slt.u32 s9, $0xF7A;
	s5 =	simm.s32 @!p2 $0x0  }
0x1d: {  	s5 =	simm.s32 @p1 $0x1;
	p0 =	seq.s32 s7, s2  }
0x1e: {  	s7 =	smul.u32 @!p0 $0xF7A, s2;
	p2 =	seq.s32 @!p0 s5, $0x0  }
0x1f: {  	s9 =	smul.u32 $0xF7A, s1;
	s8 =	simm.s32 @!p0 $0x1BF5;
	p2 =	por !p2, p0  }
0x20: {  	[sflag:s8] =	ssyncset.s32 @!p0 $0xFFFFF086;
	s6 =	sadd.s32 @!p0 s3, s7;
	s7 =	simm.s32 @!p0 $0x108  }
0x21: {  	s3 =	sadd.s32 s3, s9;
	s6 =	sadd.s32 @!p0 $0x88, s6;
	s7 =	simm.s32 @p2 $0x1082  }
0x22: {  	[simem:s7], [sflag:s8] =	dma.local @!p0 [hbm:s6], $0xF7A  }
0x23: {  	s9 =	sor.u32 $0xD0000000, s2;
	s6 =	simm.s32 $0x108;
	_ =	swait.ge @!p0 [sflag:s8], $0x0  }
0x24: {  	s3 =	sadd.s32 $0x88, s3;
	s6 =	simm.s32 @!p1 $0x1082;
	[sflag:s4] =	ssyncset.s32 $0xFFFFF086  }
0x25: {  	[simem:s6], [sflag:s4] =	dma.local [hbm:s3], $0xF7A  }
0x26: {  	[smem:$0x3F96] =	sst s1;
	(tag) =	ssettag s2;
	_ =	strace s9  }
0x27: {  	s1 =	sld [smem:$0x3FA6]  }
0x28: {  	s2 =	sld [smem:$0x3FA7]  }
0x29: {  	s4 =	sld [smem:$0x3FA9]  }
0x2a: {  	p0 =	seq.s32 s5, $0x0;
	s5 =	sld [smem:$0x3FAA]  }
0x2b: {  	s6 =	sld [smem:$0x3FAB]  }
0x2c: {  	s7 =	sld [smem:$0x3FAC]  }
0x2d: {  	s3 =	simm.s32 $0x108;
	s8 =	sld [smem:$0x3FAD]  }
0x2e: {  	s3 =	simm.s32 @!p0 $0x1082;
	s9 =	sld [smem:$0x3FAE]  }
0x2f: {  	lr =	sadd.s32 s0, s3;
	s0 =	sld [smem:$0x3FA5]  }
0x30: {  	s3 =	sld [smem:$0x3FA8]  }
0x31: {  	[smem:$0x3FB1] =	sst s10  }
0x32: {  	s10 =	sld [smem:$0x3FAF];
	_ =	sdelay $0x3  }
0x33: {  	p0 =	seq.s32 s10, $0x1;
	s10 =	sld [smem:$0x3FB1];
	_ =	sdelay $0x3  }
0x34: {  	[smem:$0x3FB1] =	sst s10  }
0x35: {  	s10 =	sld [smem:$0x3FB0];
	_ =	sdelay $0x3  }
0x36: {  	p1 =	seq.s32 s10, $0x1;
	s10 =	sld [smem:$0x3FB1];
	_ =	sdelay $0x3  }
0x37: {  	[smem:$0x3FB1] =	sst s10  }
0x38: {  	s10 =	sld [smem:$0x3FB2]  }
0x39: {  	_ = 	snop;
	(pc) =	sbr.ind lr, $3  }
0x3a: {  	_ = 	snop  }
0x3b: {  	_ = 	snop  }
0x3c: {  	p2 =	seq.s32 s10, $0x1;
	s10 =	sld [smem:$0x3FB1]  }
0x3d: {  	_ =	shalt  }
0x3e: {  	_ =	shalt  }
0x3f: {  	_ =	shalt  }
0x40: {  	_ =	shalt  }
0x41: {  	_ =	shalt  }
0x42: {  	_ =	shalt  }
0x43: {  	_ =	shalt  }
0x44: {  	_ =	shalt  }
0x45: {  	_ =	shalt  }
0x46: {  	_ =	shalt  }
0x47: {  	_ =	shalt  }
0x48: {  	_ =	shalt  }
0x49: {  	_ =	shalt  }
0x4a: {  	_ =	shalt  }
0x4b: {  	_ =	shalt  }
0x4c: {  	_ =	shalt  }
0x4d: {  	_ =	shalt  }
0x4e: {  	_ =	shalt  }
0x4f: {  	_ =	shalt  }
0x50: {  	_ =	shalt  }
0x51: {  	_ =	shalt  }
0x52: {  	_ =	shalt  }
0x53: {  	_ =	shalt  }
0x54: {  	_ =	shalt  }
0x55: {  	_ =	shalt  }
0x56: {  	_ =	shalt  }
0x57: {  	_ =	shalt  }
0x58: {  	_ =	shalt  }
0x59: {  	_ =	shalt  }
0x5a: {  	_ =	shalt  }
0x5b: {  	_ =	shalt  }
0x5c: {  	_ =	shalt  }
0x5d: {  	_ =	shalt  }
0x5e: {  	_ =	shalt  }
0x5f: {  	_ =	shalt  }
0x60: {  	_ =	shalt  }
0x61: {  	_ =	shalt  }
0x62: {  	_ =	shalt  }
0x63: {  	_ =	shalt  }
0x64: {  	_ =	shalt  }
0x65: {  	_ =	shalt  }
0x66: {  	_ =	shalt  }
0x67: {  	_ =	shalt  }
0x68: {  	_ =	shalt  }
0x69: {  	_ =	shalt  }
0x6a: {  	_ =	shalt  }
0x6b: {  	_ =	shalt  }
0x6c: {  	_ =	shalt  }
0x6d: {  	_ =	shalt  }
0x6e: {  	_ =	shalt  }
0x6f: {  	_ =	shalt  }
0x70: {  	_ =	shalt  }
0x71: {  	_ =	shalt  }
0x72: {  	_ =	shalt  }
0x73: {  	_ =	shalt  }
0x74: {  	_ =	shalt  }
0x75: {  	_ =	shalt  }
0x76: {  	_ =	shalt  }
0x77: {  	_ =	shalt  }
0x78: {  	_ =	shalt  }
0x79: {  	_ =	shalt  }
0x7a: {  	_ =	shalt  }
0x7b: {  	_ =	shalt  }
0x7c: {  	_ =	shalt  }
0x7d: {  	_ =	shalt  }
0x7e: {  	_ =	shalt  }
0x7f: {  	_ =	shalt  }
0x80: {  	_ =	shalt  }
0x81: {  	_ =	shalt  }
0x82: {  	_ =	shalt  }
0x83: {  	_ =	shalt  }
0x84: {  	_ =	shalt  }
0x85: {  	_ =	shalt  }
0x86: {  	_ =	shalt  }
0x87: {  	_ =	shalt  }
.Lfunc_end0:
.L_simem_size_0:
called_computation_lowered:
.L_overlay_start_0:
0x88: {  	s2 =	sld [smem:$0x3FD9]  }
0x89: {  	s3 =	sld [smem:$0x3FFE];
	_ =	sdelay $0x1  }
0x8a: {  	s1 =	srdreg.scid  }
0x8b: {  	s0 =	sand.u32 $0x1, s1  }
0x8c: {  	s17 =	sshll.u32 s0, $0xA;
	s2 =	sadd.s32 s3, s2  }
0x8d: {  	s2 =	sadd.s32 s2, s17  }
0x8e: {  	[smem:$0x3FBD] =	sst s2  }
0x8f: {  	_ = 	snop  }
0x90: {  	s2 =	sld [smem:$0x3FC9]  }
0x91: {  	s18 =	sld [smem:$0x3FD0];
	(tm) =	ssettm $0x1  }
0x92: {  	s4 =	sld [smem:$0x3FFB];
	_ =	sdelay $0x3  }
0x93: {  	_ =	strace s4  }
0x94: {  	s4 =	sld [smem:$0x3FFC];
	_ =	sdelay $0x3  }
0x95: {  	_ =	strace s4  }
0x96: {  	s4 =	sld [smem:$0x3FFD];
	_ =	sdelay $0x3  }
0x97: {  	_ =	strace s4  }
0x98: {  	_ =	strace $0x8FFFFFFF  }
0x99: {  	s19 =	sld [smem:$0x3FDB];
	_ =	sdelay $0x1  }
0x9a: {  	s5 =	simm.s32 $_scs_section_size  }
0x9b: {  	s6 =	simm.s32 $_size__tile_overlayer_lowered;
	s7 =	simm.s32 $_tile_overlayer_lowered  }
0x9c: {  	s22 =	simm.s32 $0x1BFF;
	s21 =	sshll.u32 s7, $0x1;
	s4 =	sadd.s32 s5, s19  }
0x9d: {  	s8 =	simm.s32 $0x0;
	s20 =	sshll.u32 s6, $0x1;
	s6 =	sadd.s32 s21, s4  }
0x9e: {  	[timem:s8], [sflag:s22] =	dma.local [hbm:s6], s20  }
0x9f: {  	_ =	swait.ge [sflag:s22], s20  }
0xa0: {  	s5 =	ssub.s32 $0x0, s20;
	[sflag:s22] =	ssyncset.done $0x0  }
0xa1: {  	[sflag:s22] =	ssyncadd.s32 s5;
	_ =	sdelay $0x1  }
0xa2: {  	s23 =	simm.s32 $0x1B8B  }
0xa3: {  	_ =	swait.ge [sflag:s23], $0x1  }
0xa4: {  	[sflag:s23] =	ssyncset.done $0x0  }
0xa5: {  	s25 =	simm.s32 $0x1B8E;
	s24 =	sld [smem:$0x3FFE];
	[sflag:s23] =	ssyncadd.s32 $0xFFFFFFFF  }
0xa6: {  	s26 =	simm.s32 $execute0_lowered;
	[smem:$0x3FD2] =	sst s25  }
0xa7: {  	s6 =	sshll.u32 s26, $0x1;
	_ =	strace $0x80000046;
	[dreg:$0x1] =	wrdreg $0xFFFFFFFF  }
0xa8: {  	s28 =	simm.s32 $_size_execute0_lowered;
	s4 =	sadd.s32 s4, s6;
	[dreg:$0x0] =	wrdreg $0x0  }
0xa9: {  	s6 =	sshll.u32 s28, $0x1;
	[dreg:$0x2] =	wrdreg s4  }
0xaa: {  	[dreg:$0x3] =	wrdreg s6  }
0xab: {  	[dreg:$0x4] =	wrdreg $0xC0  }
0xac: {  	_ =	task [dreg:s8], $0x5FFFF  }
0xad: {  	[dreg:$0x1] =	wrdreg $0xFFFFFFFF  }
0xae: {  	[dreg:$0x0] =	wrdreg $0x60  }
0xaf: {  	[dreg:$0x2] =	wrdreg s2  }
0xb0: {  	[dreg:$0x3] =	wrdreg s24  }
0xb1: {  	[dreg:$0x4] =	wrdreg s18  }
0xb2: {  	[dreg:$0x5] =	wrdreg $0x0  }
0xb3: {  	[dreg:$0x6] =	wrdreg $0x140000  }
0xb4: {  	[dreg:$0x7] =	wrdreg $0x9  }
0xb5: {  	_ =	task.clear_ibuf [dreg:s8], $0x8FFFF;
	_ =	strace $0x90000046  }
0xb6: {  	s29 =	simm.s32 $0x9;
	_ =	strace $0x80000048  }
0xb7: {  	_ =	swait.ge [sflag:s29], $0x1  }
0xb8: {  	[sflag:s29] =	ssyncadd.s32 $0xFFFFFFFF  }
0xb9: {  	_ =	strace $0x90000048  }
0xba: {  	_ =	sfence  }
0xbb: {  	s30 =	sld [smem:$0x0];
	_ =	sdelay $0x2  }
0xbc: {  	s31 =	sshll.u32 s1, $0xD;
	s1 =	sshrl.u32 s1, $0x2  }
0xbd: {  	s3 =	sand.u32 $0x4000, s31;
	s1 =	sadd.s32 s1, s30  }
0xbe: {  	s0 =	sor.u32 s3, s0;
	s1 =	sshll.u32 s1, $0x11  }
0xbf: {  	s0 =	sor.u32 s1, s0  }
0xc0: {  	s0 =	sadd.s32 $0x8F2B, s0  }
0xc1: {  	[sflag:s0] =	ssyncadd.remote.s32 $0x1  }
0xc2: {  	_ =	sfence.sel $0xFFFF  }
0xc3: {  	[dreg:$0x0] =	wrdreg $0xFFFFFFFF;
	(pc) =	sbr.abs _section_cstart, $3  }
0xc4: {  	[dreg:$0x1] =	wrdreg $0xFFFFFFFF  }
0xc5: {  	_ =	task.clear_ibuf [dreg:s8], $0x2FFFF;
	_ =	strace $0x9FFFFFFF  }
0xc6: {  	(tm) =	ssettm $0x7FFFFFFF  }
0xc7: {  	_ =	shalt  }
tec
execute0_lowered:
.L_overlay_start_1:
0x0: {  	(tag) =	ssettag $0x1  }
0x1: {  	s1 =	rddreg [dreg:$0x0];
	s11 =	stileid.u32  }
0x2: {  	s2 =	srdreg.scid;
	s6 =	smul.u32 $0x28A0, s11  }
0x3: {  	s0 =	rddreg [dreg:$0x1];
	s4 =	sand.u32 $0x1, s2;
	s8 =	smul.u32 $0x280, s11  }
0x4: {  	s5 =	rddreg [dreg:$0x2];
	s3 =	smul.u32 $0x28A00, s4  }
0x5: {  	s2 =	simm.s32 $0x0;
	s9 =	sadd.s32 $0x16C00, s0;
	s23 =	smul.u32 $0x140000, s4  }
0x6: {  	[smem:$0x7FF] =	sst s2;
	s7 =	ssub.s32 $0x2, s4;
	s4 =	smul.u32 $0x28000, s4  }
0x7: {  	s22 =	sshrl.u32 s7, $0x1;
	s10 =	sadd.s32 $0x80, s8;
	s12 =	sadd.s32 $0x100, s8  }
0x8: {  	s6 =	sadd.s32 s6, s3;
	s3 =	ssub.s32 s7, s22;
	s7 =	smul.u32 $0x14000, s11  }
0x9: {  	s14 =	sadd.s32 $0x180, s8;
	s8 =	sadd.s32 $0x200, s8;
	s11 =	smul.u32 $0x2800, s11  }
0xa: {  	s13 =	sshll.u32 s10, $0x7;
	s10 =	sshll.u32 s10, $0x4;
	s15 =	sshll.u32 s12, $0x7  }
0xb: {  	s24 =	sshll.u32 s12, $0x4;
	s25 =	sshll.u32 s14, $0x7;
	s26 =	sshll.u32 s14, $0x4  }
0xc: {  	s28 =	sshll.u32 s8, $0x7;
	s8 =	sshll.u32 s8, $0x4;
	s17 =	sadd.s32 s23, s13  }
0xd: {  	s21 =	sadd.s32 s4, s10;
	s22 =	sadd.s32 s23, s15;
	s12 =	sadd.s32 s23, s28  }
0xe: {  	s30 =	smax.u32 s3, $0x1;
	s3 =	simm.s32 $0x1;
	s18 =	sadd.s32 s7, s23  }
0xf: {  	s16 =	sadd.s32 s11, s4;
	s20 =	sshrl.u32 s17, $0x3;
	s17 =	sshrl.u32 s22, $0x3  }
0x10: {  	s12 =	sshrl.u32 s12, $0x3;
	s19 =	sshrl.u32 s16, $0x3;
	s16 =	sadd.s32 s9, s20  }
0x11: {  	s14 =	sshrl.u32 s18, $0x3;
	s17 =	sadd.s32 s9, s17;
	[dreg:$0x7] =	wrdreg s16  }
0x12: {  	s18 =	sadd.s32 s23, s25;
	s14 =	sadd.s32 s9, s14;
	[dreg:$0x8] =	wrdreg s17  }
0x13: {  	s23 =	sshrl.u32 s18, $0x3;
	s18 =	sadd.s32 s5, s19;
	[dreg:$0x6] =	wrdreg s14  }
0x14: {  	s22 =	sadd.s32 $0x16400, s0;
	s20 =	sadd.s32 s4, s26;
	[dreg:$0xb] =	wrdreg s18  }
0x15: {  	s19 =	sshrl.u32 s21, $0x3;
	s17 =	sadd.s32 s9, s23;
	s14 =	rddreg [dreg:$0x4]  }
0x16: {  	s21 =	sshrl.u32 s6, $0x3;
	s9 =	sadd.s32 s9, s12;
	[dreg:$0x9] =	wrdreg s17  }
0x17: {  	s6 =	simm.s32 $0x16800;
	s12 =	sadd.s32 s5, s19;
	[dreg:$0xa] =	wrdreg s9  }
0x18: {  	s23 =	sadd.s32 $0x16200, s0;
	s17 =	sadd.s32 s4, s24;
	[dreg:$0xc] =	wrdreg s12  }
0x19: {  	s4 =	sadd.s32 s4, s8;
	s12 =	rddreg [dreg:$0x3];
	s24 =	sadd.s32 s24, s14  }
0x1a: {  	s26 =	sadd.s32 s26, s14;
	s29 =	sadd.s32 s8, s14;
	s8 =	simm.s32 $0x64  }
0x1b: {  	s9 =	sshrl.u32 s17, $0x3;
	s4 =	sshrl.u32 s4, $0x3;
	s19 =	sadd.s32 s7, s12  }
0x1c: {  	s25 =	sadd.s32 s25, s12;
	s28 =	sadd.s32 s28, s12;
	s9 =	sadd.s32 s5, s9  }
0x1d: {  	s7 =	simm.s32 $0x16868;
	s4 =	sadd.s32 s5, s4;
	[dreg:$0xd] =	wrdreg s9  }
0x1e: {  	s9 =	sshrl.u32 s20, $0x3;
	[dreg:$0xf] =	wrdreg s4;
	s4 =	sadd.s32 s21, s0  }
0x1f: {  	s0 =	sadd.s32 $0x16000, s0;
	s20 =	sadd.s32 s11, s14;
	s9 =	sadd.s32 s5, s9  }
0x20: {  	s21 =	sadd.s32 s13, s12;
	s31 =	sadd.s32 $0x1800, s4;
	[dreg:$0xe] =	wrdreg s9  }
0x21: {  	s11 =	sadd.s32 $0xBC00, s4;
	_ =	strace $0x80000047;
	[dreg:$0x10] =	wrdreg s22  }
0x22: {  	s4 =	simm.s32 $0x1E110;
	s5 =	simm.s32 $0x19AD0;
	[dreg:$0x11] =	wrdreg s23  }
0x23: {  	s9 =	simm.s32 $0x168D0;
	[dreg:$0x12] =	wrdreg s0;
	s22 =	sadd.s32 s10, s14  }
0x24: {  	s23 =	sadd.s32 s15, s12;
	s0 =	simm.s32 $0x1A110;
	s10 =	simm.s32 $0x0  }
.LBB2_1:
0x25: {  	s13 =	rddreg [dreg:$0x10]  }
0x26: {  	[tilespmem:s0], [sflag:$0x1] =	stream.linear.gather [hbm4b:s13+s2], $0x4000, $0x38;
	[tilespmem:$0x1E910] =	vst v63  }
0x27: {  	_ =	swait.ge [sflag:s3], $0x4000  }
0x28: {  	[sflag:s3] =	ssyncset.done $0x0  }
0x29: {  	s15 =	rddreg [dreg:$0x11];
	[sflag:s3] =	ssyncadd.s32 $0xFFFFC000  }
0x2a: {  	[tilespmem:s4], [sflag:$0x1] =	stream.linear.gather [hbm4b:s15+s2], $0x800, $0x38;
	[tilespmem:$0x1E910] =	vst v63  }
0x2b: {  	_ =	swait.ge [sflag:s3], $0x800  }
0x2c: {  	[sflag:s3] =	ssyncset.done $0x0  }
0x2d: {  	s16 =	rddreg [dreg:$0x12];
	[sflag:s3] =	ssyncadd.s32 $0xFFFFF800  }
0x2e: {  	[tilespmem:s5], [sflag:$0x1] =	stream.linear.gather [hbm4b:s16+s2], $0x640, $0x38;
	[tilespmem:$0x1E910] =	vst v63  }
0x2f: {  	_ =	swait.ge [sflag:s3], $0x640  }
0x30: {  	[sflag:s3] =	ssyncset.done $0x0  }
0x31: {  	[sflag:s3] =	ssyncadd.s32 $0xFFFFF9C0  }
0x32: {  	[spmem:s19] =	stream.linear.scatter [tilespmem:s0], [sflag:$0x1], $0x4000, $0x38;
	[tilespmem:$0x1E910] =	vst v63  }
0x33: {  	_ =	swait.ge [sflag:s3], $0x4000  }
0x34: {  	[sflag:s3] =	ssyncset.done $0x0  }
0x35: {  	[sflag:s3] =	ssyncadd.s32 $0xFFFFC000  }
0x36: {  	[spmem:s20] =	stream.linear.scatter [tilespmem:s4], [sflag:$0x1], $0x800, $0x38;
	[tilespmem:$0x1E910] =	vst v63  }
0x37: {  	_ =	swait.ge [sflag:s3], $0x800  }
0x38: {  	[sflag:s3] =	ssyncset.done $0x0  }
0x39: {  	[sflag:s3] =	ssyncadd.s32 $0xFFFFF800  }
0x3a: {  	[spmem:s21] =	stream.linear.scatter [tilespmem:s0], [sflag:$0x1], $0x4000, $0x38;
	[tilespmem:$0x1E910] =	vst v63  }
0x3b: {  	_ =	swait.ge [sflag:s3], $0x4000  }
0x3c: {  	[sflag:s3] =	ssyncset.done $0x0  }
0x3d: {  	[sflag:s3] =	ssyncadd.s32 $0xFFFFC000  }
0x3e: {  	[spmem:s22] =	stream.linear.scatter [tilespmem:s4], [sflag:$0x1], $0x800, $0x38;
	[tilespmem:$0x1E910] =	vst v63  }
0x3f: {  	_ =	swait.ge [sflag:s3], $0x800  }
0x40: {  	[sflag:s3] =	ssyncset.done $0x0  }
0x41: {  	[sflag:s3] =	ssyncadd.s32 $0xFFFFF800  }
0x42: {  	[spmem:s23] =	stream.linear.scatter [tilespmem:s0], [sflag:$0x1], $0x4000, $0x38;
	[tilespmem:$0x1E910] =	vst v63  }
0x43: {  	_ =	swait.ge [sflag:s3], $0x4000  }
0x44: {  	[sflag:s3] =	ssyncset.done $0x0  }
0x45: {  	[sflag:s3] =	ssyncadd.s32 $0xFFFFC000  }
0x46: {  	[spmem:s24] =	stream.linear.scatter [tilespmem:s4], [sflag:$0x1], $0x800, $0x38;
	[tilespmem:$0x1E910] =	vst v63  }
0x47: {  	_ =	swait.ge [sflag:s3], $0x800  }
0x48: {  	[sflag:s3] =	ssyncset.done $0x0  }
0x49: {  	[sflag:s3] =	ssyncadd.s32 $0xFFFFF800  }
0x4a: {  	[spmem:s25] =	stream.linear.scatter [tilespmem:s0], [sflag:$0x1], $0x4000, $0x38;
	[tilespmem:$0x1E910] =	vst v63  }
0x4b: {  	_ =	swait.ge [sflag:s3], $0x4000  }
0x4c: {  	[sflag:s3] =	ssyncset.done $0x0  }
0x4d: {  	[sflag:s3] =	ssyncadd.s32 $0xFFFFC000  }
0x4e: {  	[spmem:s26] =	stream.linear.scatter [tilespmem:s4], [sflag:$0x1], $0x800, $0x38;
	[tilespmem:$0x1E910] =	vst v63  }
0x4f: {  	_ =	swait.ge [sflag:s3], $0x800  }
0x50: {  	[sflag:s3] =	ssyncset.done $0x0  }
0x51: {  	[sflag:s3] =	ssyncadd.s32 $0xFFFFF800  }
0x52: {  	[spmem:s28] =	stream.linear.scatter [tilespmem:s0], [sflag:$0x1], $0x4000, $0x38;
	[tilespmem:$0x1E910] =	vst v63  }
0x53: {  	_ =	swait.ge [sflag:s3], $0x4000  }
0x54: {  	[sflag:s3] =	ssyncset.done $0x0  }
0x55: {  	[sflag:s3] =	ssyncadd.s32 $0xFFFFC000  }
0x56: {  	[spmem:s29] =	stream.linear.scatter [tilespmem:s4], [sflag:$0x1], $0x800, $0x38;
	[tilespmem:$0x1E910] =	vst v63  }
0x57: {  	_ =	swait.ge [sflag:s3], $0x800  }
0x58: {  	[sflag:s3] =	ssyncset.done $0x0  }
0x59: {  	[sflag:s3] =	ssyncadd.s32 $0xFFFFF800  }
0x5a: {  	s17 =	sadd.s32 $0x0, s11;
	[bflag:$0x0] =	sbarrier.arrive $0xFFFF  }
0x5b: {  	[tilespmem:s6], [sflag:$0x1] =	stream.linear.gather [hbm4b:s17+s2], $0x68, $0x38;
	[tilespmem:$0x1E910] =	vst v63  }
0x5c: {  	_ =	swait.ge [sflag:s3], $0x68  }
0x5d: {  	[sflag:s3] =	ssyncset.done $0x0  }
0x5e: {  	s18 =	sadd.s32 $0x0, s31;
	[sflag:s3] =	ssyncadd.s32 $0xFFFFFF98  }
0x5f: {  	[tilespmem:s7], [sflag:$0x1] =	stream.linear.gather [hbm4b:s18+s2], $0x68, $0x38;
	[tilespmem:$0x1E910] =	vst v63  }
0x60: {  	_ =	swait.ge [sflag:s3], $0x68  }
0x61: {  	[sflag:s3] =	ssyncset.done $0x0  }
0x62: {  	[sflag:s3] =	ssyncadd.s32 $0xFFFFFF98  }
0x63: {  	[tilespmem:s9], [sflag:$0x1] =	stream.indirect.gather [hbm4b:s1+s8], $0x80, s6, s8, $0xb8;
	[tilespmem:$0x1E910] =	vst v63  }
0x64: {  	_ =	swait.ge [sflag:s3], $0x3200  }
0x65: {  	[sflag:s3] =	ssyncset.done $0x0  }
0x66: {  	[sflag:s3] =	ssyncadd.s32 $0xFFFFCE00  }
0x67: {  	[spmem:s12] =	stream.indirect.scatter.add.f32 [tilespmem:s9], [sflag:$0x1], $0x80, s7, s8, $0xb8;
	[tilespmem:$0x1E910] =	vst v63  }
0x68: {  	_ =	swait.ge [sflag:s3], $0x3200  }
0x69: {  	[sflag:s3] =	ssyncset.done $0x0  }
0x6a: {  	[sflag:s3] =	ssyncadd.s32 $0xFFFFCE00  }
0x6b: {  	[spmem:s14] =	stream.indirect.scatter.add.f32 [tilespmem:s5], [sflag:$0x1], $0x10, s7, s8, $0xb8;
	[tilespmem:$0x1E910] =	vst v63  }
0x6c: {  	_ =	swait.ge [sflag:s3], $0x640  }
0x6d: {  	s13 =	simm.s32 $0xD;
	s15 =	simm.s32 $0x1A;
	[sflag:s3] =	ssyncset.done $0x0  }
.LBB2_2:
0x6e: {  	s16 =	sadd.s32 s13, s11  }
0x6f: {  	[sflag:s3] =	ssyncadd.s32 $0xFFFFF9C0;
	s17 =	smov.u32 s15;
	s18 =	sadd.s32 $0xD, s15  }
0x70: {  	[tilespmem:s6], [sflag:$0x1] =	stream.linear.gather [hbm4b:s16+s2], $0x68, $0x38;
	[tilespmem:$0x1E910] =	vst v63  }
0x71: {  	p0 =	sne.s32 s15, $0x507;
	_ =	swait.ge [sflag:s3], $0x68  }
0x72: {  	[sflag:s3] =	ssyncset.done $0x0  }
0x73: {  	s15 =	sadd.s32 s13, s31;
	s13 =	smov.u32 s17;
	[sflag:s3] =	ssyncadd.s32 $0xFFFFFF98  }
0x74: {  	[tilespmem:s7], [sflag:$0x1] =	stream.linear.gather [hbm4b:s15+s2], $0x68, $0x38;
	[tilespmem:$0x1E910] =	vst v63  }
0x75: {  	_ =	swait.ge [sflag:s3], $0x68  }
0x76: {  	[sflag:s3] =	ssyncset.done $0x0  }
0x77: {  	[sflag:s3] =	ssyncadd.s32 $0xFFFFFF98  }
0x78: {  	[tilespmem:s9], [sflag:$0x1] =	stream.indirect.gather [hbm4b:s1+s8], $0x80, s6, s8, $0xb8;
	[tilespmem:$0x1E910] =	vst v63  }
0x79: {  	_ =	swait.ge [sflag:s3], $0x3200  }
0x7a: {  	[sflag:s3] =	ssyncset.done $0x0  }
0x7b: {  	[sflag:s3] =	ssyncadd.s32 $0xFFFFCE00  }
0x7c: {  	[spmem:s12] =	stream.indirect.scatter.add.f32 [tilespmem:s9], [sflag:$0x1], $0x80, s7, s8, $0xb8;
	[tilespmem:$0x1E910] =	vst v63  }
0x7d: {  	_ =	swait.ge [sflag:s3], $0x3200  }
.Ltmp0:
0x7e: {  	[sflag:s3] =	ssyncset.done $0x0;
	(pc) =	sbr.rel @p0 .LBB2_2-.Ltmp0, $4  }
0x7f: {  	[sflag:s3] =	ssyncadd.s32 $0xFFFFCE00  }
0x80: {  	[spmem:s14] =	stream.indirect.scatter.add.f32 [tilespmem:s5], [sflag:$0x1], $0x10, s7, s8, $0xb8;
	[tilespmem:$0x1E910] =	vst v63  }
0x81: {  	_ =	swait.ge [sflag:s3], $0x640  }
0x82: {  	s15 =	smov.u32 s18;
	[sflag:s3] =	ssyncset.done $0x0  }
0x83: {  	s15 =	sadd.s32 s13, s11;
	[sflag:s3] =	ssyncadd.s32 $0xFFFFF9C0  }
0x84: {  	[tilespmem:s6], [sflag:$0x1] =	stream.linear.gather [hbm4b:s15+s2], $0x68, $0x38;
	[tilespmem:$0x1E910] =	vst v63  }
0x85: {  	_ =	swait.ge [sflag:s3], $0x68  }
0x86: {  	[sflag:s3] =	ssyncset.done $0x0  }
0x87: {  	s16 =	sadd.s32 s13, s31;
	[sflag:s3] =	ssyncadd.s32 $0xFFFFFF98  }
0x88: {  	[tilespmem:s7], [sflag:$0x1] =	stream.linear.gather [hbm4b:s16+s2], $0x68, $0x38;
	[tilespmem:$0x1E910] =	vst v63  }
0x89: {  	_ =	swait.ge [sflag:s3], $0x68  }
0x8a: {  	[sflag:s3] =	ssyncset.done $0x0  }
0x8b: {  	[sflag:s3] =	ssyncadd.s32 $0xFFFFFF98  }
0x8c: {  	[tilespmem:s9], [sflag:$0x1] =	stream.indirect.gather [hbm4b:s1+s8], $0x80, s6, s8, $0xb8;
	[tilespmem:$0x1E910] =	vst v63  }
0x8d: {  	_ =	swait.ge [sflag:s3], $0x3200  }
0x8e: {  	[sflag:s3] =	ssyncset.done $0x0  }
0x8f: {  	[sflag:s3] =	ssyncadd.s32 $0xFFFFCE00  }
0x90: {  	[spmem:s12] =	stream.indirect.scatter.add.f32 [tilespmem:s9], [sflag:$0x1], $0x80, s7, s8, $0xb8;
	[tilespmem:$0x1E910] =	vst v63  }
0x91: {  	_ =	swait.ge [sflag:s3], $0x3200  }
0x92: {  	[sflag:s3] =	ssyncset.done $0x0  }
0x93: {  	[sflag:s3] =	ssyncadd.s32 $0xFFFFCE00  }
0x94: {  	[spmem:s14] =	stream.indirect.scatter.add.f32 [tilespmem:s5], [sflag:$0x1], $0x10, s7, s8, $0xb8;
	[tilespmem:$0x1E910] =	vst v63  }
0x95: {  	_ =	swait.ge [sflag:s3], $0x640  }
0x96: {  	[sflag:s3] =	ssyncset.done $0x0  }
0x97: {  	[sflag:s3] =	ssyncadd.s32 $0xFFFFF9C0  }
0x98: {  	[bflag:$0x0] =	sbarrier.arrive $0xFFFF  }
0x99: {  	[tilespmem:s0], [sflag:$0x1] =	stream.linear.gather [spmem:s19], $0x4000, $0x38;
	[tilespmem:$0x1E910] =	vst v63  }
0x9a: {  	_ =	swait.ge [sflag:s3], $0x4000  }
0x9b: {  	[sflag:s3] =	ssyncset.done $0x0  }
0x9c: {  	s17 =	rddreg [dreg:$0x6];
	[sflag:s3] =	ssyncadd.s32 $0xFFFFC000  }
0x9d: {  	[hbm4b:s17+s2] =	stream.linear.scatter [tilespmem:s0], [sflag:$0x1], $0x4000, $0x38;
	[tilespmem:$0x1E910] =	vst v63  }
0x9e: {  	_ =	swait.ge [sflag:s3], $0x4000  }
0x9f: {  	[sflag:s3] =	ssyncset.done $0x0  }
0xa0: {  	[sflag:s3] =	ssyncadd.s32 $0xFFFFC000  }
0xa1: {  	[tilespmem:s4], [sflag:$0x1] =	stream.linear.gather [spmem:s20], $0x800, $0x38;
	[tilespmem:$0x1E910] =	vst v63  }
0xa2: {  	_ =	swait.ge [sflag:s3], $0x800  }
0xa3: {  	[sflag:s3] =	ssyncset.done $0x0  }
0xa4: {  	s18 =	rddreg [dreg:$0xb];
	[sflag:s3] =	ssyncadd.s32 $0xFFFFF800  }
0xa5: {  	[hbm4b:s18+s2] =	stream.linear.scatter [tilespmem:s4], [sflag:$0x1], $0x800, $0x38;
	[tilespmem:$0x1E910] =	vst v63  }
0xa6: {  	_ =	swait.ge [sflag:s3], $0x800  }
0xa7: {  	[sflag:s3] =	ssyncset.done $0x0  }
0xa8: {  	[sflag:s3] =	ssyncadd.s32 $0xFFFFF800  }
0xa9: {  	[tilespmem:s0], [sflag:$0x1] =	stream.linear.gather [spmem:s21], $0x4000, $0x38;
	[tilespmem:$0x1E910] =	vst v63  }
0xaa: {  	_ =	swait.ge [sflag:s3], $0x4000  }
0xab: {  	[sflag:s3] =	ssyncset.done $0x0  }
0xac: {  	s15 =	rddreg [dreg:$0x7];
	[sflag:s3] =	ssyncadd.s32 $0xFFFFC000  }
0xad: {  	[hbm4b:s15+s2] =	stream.linear.scatter [tilespmem:s0], [sflag:$0x1], $0x4000, $0x38;
	[tilespmem:$0x1E910] =	vst v63  }
0xae: {  	_ =	swait.ge [sflag:s3], $0x4000  }
0xaf: {  	[sflag:s3] =	ssyncset.done $0x0  }
0xb0: {  	[sflag:s3] =	ssyncadd.s32 $0xFFFFC000  }
0xb1: {  	[tilespmem:s4], [sflag:$0x1] =	stream.linear.gather [spmem:s22], $0x800, $0x38;
	[tilespmem:$0x1E910] =	vst v63  }
0xb2: {  	_ =	swait.ge [sflag:s3], $0x800  }
0xb3: {  	[sflag:s3] =	ssyncset.done $0x0  }
0xb4: {  	s16 =	rddreg [dreg:$0xc];
	[sflag:s3] =	ssyncadd.s32 $0xFFFFF800  }
0xb5: {  	[hbm4b:s16+s2] =	stream.linear.scatter [tilespmem:s4], [sflag:$0x1], $0x800, $0x38;
	[tilespmem:$0x1E910] =	vst v63  }
0xb6: {  	_ =	swait.ge [sflag:s3], $0x800  }
0xb7: {  	[sflag:s3] =	ssyncset.done $0x0  }
0xb8: {  	[sflag:s3] =	ssyncadd.s32 $0xFFFFF800  }
0xb9: {  	[tilespmem:s0], [sflag:$0x1] =	stream.linear.gather [spmem:s23], $0x4000, $0x38;
	[tilespmem:$0x1E910] =	vst v63  }
0xba: {  	_ =	swait.ge [sflag:s3], $0x4000  }
0xbb: {  	[sflag:s3] =	ssyncset.done $0x0  }
0xbc: {  	s17 =	rddreg [dreg:$0x8];
	[sflag:s3] =	ssyncadd.s32 $0xFFFFC000  }
0xbd: {  	[hbm4b:s17+s2] =	stream.linear.scatter [tilespmem:s0], [sflag:$0x1], $0x4000, $0x38;
	[tilespmem:$0x1E910] =	vst v63  }
0xbe: {  	_ =	swait.ge [sflag:s3], $0x4000  }
0xbf: {  	[sflag:s3] =	ssyncset.done $0x0  }
0xc0: {  	[sflag:s3] =	ssyncadd.s32 $0xFFFFC000  }
0xc1: {  	[tilespmem:s4], [sflag:$0x1] =	stream.linear.gather [spmem:s24], $0x800, $0x38;
	[tilespmem:$0x1E910] =	vst v63  }
0xc2: {  	_ =	swait.ge [sflag:s3], $0x800  }
0xc3: {  	[sflag:s3] =	ssyncset.done $0x0  }
0xc4: {  	s18 =	rddreg [dreg:$0xd];
	[sflag:s3] =	ssyncadd.s32 $0xFFFFF800  }
0xc5: {  	[hbm4b:s18+s2] =	stream.linear.scatter [tilespmem:s4], [sflag:$0x1], $0x800, $0x38;
	[tilespmem:$0x1E910] =	vst v63  }
0xc6: {  	_ =	swait.ge [sflag:s3], $0x800  }
0xc7: {  	[sflag:s3] =	ssyncset.done $0x0  }
0xc8: {  	[sflag:s3] =	ssyncadd.s32 $0xFFFFF800  }
0xc9: {  	[tilespmem:s0], [sflag:$0x1] =	stream.linear.gather [spmem:s25], $0x4000, $0x38;
	[tilespmem:$0x1E910] =	vst v63  }
0xca: {  	_ =	swait.ge [sflag:s3], $0x4000  }
0xcb: {  	[sflag:s3] =	ssyncset.done $0x0  }
0xcc: {  	s15 =	rddreg [dreg:$0x9];
	[sflag:s3] =	ssyncadd.s32 $0xFFFFC000  }
0xcd: {  	[hbm4b:s15+s2] =	stream.linear.scatter [tilespmem:s0], [sflag:$0x1], $0x4000, $0x38;
	[tilespmem:$0x1E910] =	vst v63  }
0xce: {  	_ =	swait.ge [sflag:s3], $0x4000  }
0xcf: {  	[sflag:s3] =	ssyncset.done $0x0  }
0xd0: {  	[sflag:s3] =	ssyncadd.s32 $0xFFFFC000  }
0xd1: {  	[tilespmem:s4], [sflag:$0x1] =	stream.linear.gather [spmem:s26], $0x800, $0x38;
	[tilespmem:$0x1E910] =	vst v63  }
0xd2: {  	_ =	swait.ge [sflag:s3], $0x800  }
0xd3: {  	[sflag:s3] =	ssyncset.done $0x0  }
0xd4: {  	s16 =	rddreg [dreg:$0xe];
	[sflag:s3] =	ssyncadd.s32 $0xFFFFF800  }
0xd5: {  	[hbm4b:s16+s2] =	stream.linear.scatter [tilespmem:s4], [sflag:$0x1], $0x800, $0x38;
	[tilespmem:$0x1E910] =	vst v63  }
0xd6: {  	_ =	swait.ge [sflag:s3], $0x800  }
0xd7: {  	[sflag:s3] =	ssyncset.done $0x0  }
0xd8: {  	[sflag:s3] =	ssyncadd.s32 $0xFFFFF800  }
0xd9: {  	[tilespmem:s0], [sflag:$0x1] =	stream.linear.gather [spmem:s28], $0x4000, $0x38;
	[tilespmem:$0x1E910] =	vst v63  }
0xda: {  	_ =	swait.ge [sflag:s3], $0x4000  }
0xdb: {  	[sflag:s3] =	ssyncset.done $0x0  }
0xdc: {  	s17 =	rddreg [dreg:$0xa];
	[sflag:s3] =	ssyncadd.s32 $0xFFFFC000  }
0xdd: {  	[hbm4b:s17+s2] =	stream.linear.scatter [tilespmem:s0], [sflag:$0x1], $0x4000, $0x38;
	[tilespmem:$0x1E910] =	vst v63  }
0xde: {  	_ =	swait.ge [sflag:s3], $0x4000  }
0xdf: {  	[sflag:s3] =	ssyncset.done $0x0  }
0xe0: {  	[sflag:s3] =	ssyncadd.s32 $0xFFFFC000  }
0xe1: {  	[tilespmem:s4], [sflag:$0x1] =	stream.linear.gather [spmem:s29], $0x800, $0x38;
	[tilespmem:$0x1E910] =	vst v63  }
0xe2: {  	s10 =	sadd.s32 $0x1, s10;
	_ =	swait.ge [sflag:s3], $0x800  }
0xe3: {  	p0 =	sne.s32 s10, s30;
	[sflag:s3] =	ssyncset.done $0x0  }
.Ltmp1:
0xe4: {  	s18 =	rddreg [dreg:$0xf];
	[sflag:s3] =	ssyncadd.s32 $0xFFFFF800;
	(pc) =	sbr.rel @p0 .LBB2_1-.Ltmp1, $4  }
0xe5: {  	[hbm4b:s18+s2] =	stream.linear.scatter [tilespmem:s4], [sflag:$0x1], $0x800, $0x38;
	[tilespmem:$0x1E910] =	vst v63  }
0xe6: {  	_ =	swait.ge [sflag:s3], $0x800  }
0xe7: {  	[sflag:s3] =	ssyncset.done $0x0  }
0xe8: {  	[sflag:s3] =	ssyncadd.s32 $0xFFFFF800  }
0xe9: {  	_ =	sfence.sel $0x180000  }
0xea: {  	[bflag:$0x0] =	sbarrier.arrive $0xFFFF  }
0xeb: {  	_ =	strace $0x90000047  }
0xec: {  	s0 =	stileid.u32;
	[bflag:$0x2] =	sbarrier.arrive $0xFFFF  }
0xed: {  	p0 =	sne.s32 s0, $0x0;
	s0 =	rddreg [dreg:$0x5]  }
0xee: {  	s0 =	sadd.s32 @!p0 $0x100000, s0  }
0xef: {  	[sflag:s0] =	ssyncadd.tile.s32 @!p0 $0x1;
	_ =	shalt  }
.Lfunc_end2:
_tile_overlayer_lowered:
.L_overlay_start_2:
0xf0: {  	(tag) =	ssettag $0x2  }
0xf1: {  	s0 =	rddreg [dreg:$0x0];
	s2 =	stileid.u32  }
0xf2: {  	s1 =	rddreg [dreg:$0x1];
	p0 =	sne.s32 s2, $0x0  }
0xf3: {  	s3 =	rddreg [dreg:$0x2];
	[bflag:$0x3] =	sbarrier.arrive $0xFFFF;
	s2 =	simm.s32 @!p0 $0x1C01  }
0xf4: {  	[timem:s3], [sflag:s2] =	dma.local @!p0 [hbm:s0], s1  }
0xf5: {  	s0 =	simm.s32 @!p0 $0x1  }
0xf6: {  	_ =	swait.ge @!p0 [sflag:s0], s1  }
0xf7: {  	s1 =	ssub.s32 @!p0 $0x0, s1;
	[sflag:s0] =	ssyncset.done @!p0 $0x0  }
0xf8: {  	[sflag:s0] =	ssyncadd.s32 @!p0 s1  }
0xf9: {  	[bflag:$0x3] =	sbarrier.arrive $0xFFFF  }
0xfa: {  	_ =	shalt  }

// kernel: kernel.9.cloned.1.call-start
scs
__scs_entry_jumppad:
0x0: {  	(pc) =	sbr.rel $0x88, $3  }
0x1: {  	(tag) =	ssettag $0x0;
	lr =	simm.s32 $0x1  }
0x2: {  	[smem:$0x3F96] =	sst lr;
	_ =	strace $0xD0000000  }
0x3: {  	_ = 	snop  }
0x4: {  	_ = 	snop  }
0x5: {  	_ = 	snop  }
0x6: {  	_ = 	snop  }
0x7: {  	_ = 	snop  }
__scs_overlays_trampoline_lowered:
0x8: {  	[smem:$0x3FA5] =	sst s0  }
0x9: {  	[smem:$0x3FA6] =	sst s1  }
0xa: {  	[smem:$0x3FA7] =	sst s2  }
0xb: {  	[smem:$0x3FA8] =	sst s3  }
0xc: {  	[smem:$0x3FA9] =	sst s4  }
0xd: {  	[smem:$0x3FAA] =	sst s5  }
0xe: {  	[smem:$0x3FAB] =	sst s6  }
0xf: {  	[smem:$0x3FAC] =	sst s7  }
0x10: {  	[smem:$0x3FAD] =	sst s8  }
0x11: {  	[smem:$0x3FAE] =	sst s9;
	s0 =	simm.s32 @!p0 $0x0  }
0x12: {  	s1 =	sld [smem:$0x3F94];
	s0 =	simm.s32 @p0 $0x1  }
0x13: {  	[smem:$0x3FAF] =	sst s0;
	s0 =	simm.s32 @!p1 $0x0  }
0x14: {  	s2 =	sld [smem:$0x3F93];
	s0 =	simm.s32 @p1 $0x1  }
0x15: {  	[smem:$0x3FB0] =	sst s0;
	s0 =	simm.s32 @!p2 $0x0  }
0x16: {  	s3 =	sld [smem:$0x3FDB];
	s0 =	simm.s32 @p2 $0x1  }
0x17: {  	s4 =	simm.s32 $0x1BF5;
	[smem:$0x3FB2] =	sst s0  }
0x18: {  	s0 =	sld [smem:$0x3F95];
	_ =	swait.ge [sflag:s4], $0x0  }
0x19: {  	s7 =	sld [smem:$0x3F96]  }
0x1a: {  	s8 =	sadd.s32 $0xFFFFE003, lr  }
0x1b: {  	s9 =	sadd.s32 $0xFFFFFEF7, lr;
	s5 =	simm.s32 $0xFFFFFFFF;
	p2 =	slt.u32 s8, $0xFFFFF086  }
0x1c: {  	p1 =	slt.u32 s9, $0xF7A;
	s5 =	simm.s32 @!p2 $0x0  }
0x1d: {  	s5 =	simm.s32 @p1 $0x1;
	p0 =	seq.s32 s7, s2  }
0x1e: {  	s7 =	smul.u32 @!p0 $0xF7A, s2;
	p2 =	seq.s32 @!p0 s5, $0x0  }
0x1f: {  	s9 =	smul.u32 $0xF7A, s1;
	s8 =	simm.s32 @!p0 $0x1BF5;
	p2 =	por !p2, p0  }
0x20: {  	[sflag:s8] =	ssyncset.s32 @!p0 $0xFFFFF086;
	s6 =	sadd.s32 @!p0 s3, s7;
	s7 =	simm.s32 @!p0 $0x108  }
0x21: {  	s3 =	sadd.s32 s3, s9;
	s6 =	sadd.s32 @!p0 $0x88, s6;
	s7 =	simm.s32 @p2 $0x1082  }
0x22: {  	[simem:s7], [sflag:s8] =	dma.local @!p0 [hbm:s6], $0xF7A  }
0x23: {  	s9 =	sor.u32 $0xD0000000, s2;
	s6 =	simm.s32 $0x108;
	_ =	swait.ge @!p0 [sflag:s8], $0x0  }
0x24: {  	s3 =	sadd.s32 $0x88, s3;
	s6 =	simm.s32 @!p1 $0x1082;
	[sflag:s4] =	ssyncset.s32 $0xFFFFF086  }
0x25: {  	[simem:s6], [sflag:s4] =	dma.local [hbm:s3], $0xF7A  }
0x26: {  	[smem:$0x3F96] =	sst s1;
	(tag) =	ssettag s2;
	_ =	strace s9  }
0x27: {  	s1 =	sld [smem:$0x3FA6]  }
0x28: {  	s2 =	sld [smem:$0x3FA7]  }
0x29: {  	s4 =	sld [smem:$0x3FA9]  }
0x2a: {  	p0 =	seq.s32 s5, $0x0;
	s5 =	sld [smem:$0x3FAA]  }
0x2b: {  	s6 =	sld [smem:$0x3FAB]  }
0x2c: {  	s7 =	sld [smem:$0x3FAC]  }
0x2d: {  	s3 =	simm.s32 $0x108;
	s8 =	sld [smem:$0x3FAD]  }
0x2e: {  	s3 =	simm.s32 @!p0 $0x1082;
	s9 =	sld [smem:$0x3FAE]  }
0x2f: {  	lr =	sadd.s32 s0, s3;
	s0 =	sld [smem:$0x3FA5]  }
0x30: {  	s3 =	sld [smem:$0x3FA8]  }
0x31: {  	[smem:$0x3FB1] =	sst s10  }
0x32: {  	s10 =	sld [smem:$0x3FAF];
	_ =	sdelay $0x3  }
0x33: {  	p0 =	seq.s32 s10, $0x1;
	s10 =	sld [smem:$0x3FB1];
	_ =	sdelay $0x3  }
0x34: {  	[smem:$0x3FB1] =	sst s10  }
0x35: {  	s10 =	sld [smem:$0x3FB0];
	_ =	sdelay $0x3  }
0x36: {  	p1 =	seq.s32 s10, $0x1;
	s10 =	sld [smem:$0x3FB1];
	_ =	sdelay $0x3  }
0x37: {  	[smem:$0x3FB1] =	sst s10  }
0x38: {  	s10 =	sld [smem:$0x3FB2]  }
0x39: {  	_ = 	snop;
	(pc) =	sbr.ind lr, $3  }
0x3a: {  	_ = 	snop  }
0x3b: {  	_ = 	snop  }
0x3c: {  	p2 =	seq.s32 s10, $0x1;
	s10 =	sld [smem:$0x3FB1]  }
0x3d: {  	_ =	shalt  }
0x3e: {  	_ =	shalt  }
0x3f: {  	_ =	shalt  }
0x40: {  	_ =	shalt  }
0x41: {  	_ =	shalt  }
0x42: {  	_ =	shalt  }
0x43: {  	_ =	shalt  }
0x44: {  	_ =	shalt  }
0x45: {  	_ =	shalt  }
0x46: {  	_ =	shalt  }
0x47: {  	_ =	shalt  }
0x48: {  	_ =	shalt  }
0x49: {  	_ =	shalt  }
0x4a: {  	_ =	shalt  }
0x4b: {  	_ =	shalt  }
0x4c: {  	_ =	shalt  }
0x4d: {  	_ =	shalt  }
0x4e: {  	_ =	shalt  }
0x4f: {  	_ =	shalt  }
0x50: {  	_ =	shalt  }
0x51: {  	_ =	shalt  }
0x52: {  	_ =	shalt  }
0x53: {  	_ =	shalt  }
0x54: {  	_ =	shalt  }
0x55: {  	_ =	shalt  }
0x56: {  	_ =	shalt  }
0x57: {  	_ =	shalt  }
0x58: {  	_ =	shalt  }
0x59: {  	_ =	shalt  }
0x5a: {  	_ =	shalt  }
0x5b: {  	_ =	shalt  }
0x5c: {  	_ =	shalt  }
0x5d: {  	_ =	shalt  }
0x5e: {  	_ =	shalt  }
0x5f: {  	_ =	shalt  }
0x60: {  	_ =	shalt  }
0x61: {  	_ =	shalt  }
0x62: {  	_ =	shalt  }
0x63: {  	_ =	shalt  }
0x64: {  	_ =	shalt  }
0x65: {  	_ =	shalt  }
0x66: {  	_ =	shalt  }
0x67: {  	_ =	shalt  }
0x68: {  	_ =	shalt  }
0x69: {  	_ =	shalt  }
0x6a: {  	_ =	shalt  }
0x6b: {  	_ =	shalt  }
0x6c: {  	_ =	shalt  }
0x6d: {  	_ =	shalt  }
0x6e: {  	_ =	shalt  }
0x6f: {  	_ =	shalt  }
0x70: {  	_ =	shalt  }
0x71: {  	_ =	shalt  }
0x72: {  	_ =	shalt  }
0x73: {  	_ =	shalt  }
0x74: {  	_ =	shalt  }
0x75: {  	_ =	shalt  }
0x76: {  	_ =	shalt  }
0x77: {  	_ =	shalt  }
0x78: {  	_ =	shalt  }
0x79: {  	_ =	shalt  }
0x7a: {  	_ =	shalt  }
0x7b: {  	_ =	shalt  }
0x7c: {  	_ =	shalt  }
0x7d: {  	_ =	shalt  }
0x7e: {  	_ =	shalt  }
0x7f: {  	_ =	shalt  }
0x80: {  	_ =	shalt  }
0x81: {  	_ =	shalt  }
0x82: {  	_ =	shalt  }
0x83: {  	_ =	shalt  }
0x84: {  	_ =	shalt  }
0x85: {  	_ =	shalt  }
0x86: {  	_ =	shalt  }
0x87: {  	_ =	shalt  }
.Lfunc_end0:
.L_simem_size_0:
called_computation.1_lowered:
.L_overlay_start_0:
0x88: {  	s2 =	sld [smem:$0x3FD9]  }
0x89: {  	s3 =	sld [smem:$0x3FFE];
	_ =	sdelay $0x1  }
0x8a: {  	s1 =	srdreg.scid  }
0x8b: {  	s0 =	sand.u32 $0x1, s1  }
0x8c: {  	s17 =	sshll.u32 s0, $0xA;
	s2 =	sadd.s32 s3, s2  }
0x8d: {  	s2 =	sadd.s32 s2, s17  }
0x8e: {  	[smem:$0x3FBD] =	sst s2  }
0x8f: {  	_ = 	snop  }
0x90: {  	s2 =	sld [smem:$0x3FD0];
	(tm) =	ssettm $0x1  }
0x91: {  	s18 =	sld [smem:$0x3FFB];
	_ =	sdelay $0x3  }
0x92: {  	_ =	strace s18  }
0x93: {  	s3 =	sld [smem:$0x3FFC];
	_ =	sdelay $0x3  }
0x94: {  	_ =	strace s3  }
0x95: {  	s3 =	sld [smem:$0x3FFD];
	_ =	sdelay $0x3  }
0x96: {  	_ =	strace s3  }
0x97: {  	_ =	strace $0x8FFFFFFF  }
0x98: {  	s19 =	sld [smem:$0x3FDB];
	_ =	sdelay $0x1  }
0x99: {  	s4 =	simm.s32 $_scs_section_size  }
0x9a: {  	s5 =	simm.s32 $_size__tile_overlayer_lowered;
	s6 =	simm.s32 $_tile_overlayer_lowered  }
0x9b: {  	s22 =	simm.s32 $0x1BFF;
	s21 =	sshll.u32 s6, $0x1;
	s3 =	sadd.s32 s4, s19  }
0x9c: {  	s7 =	simm.s32 $0x0;
	s20 =	sshll.u32 s5, $0x1;
	s5 =	sadd.s32 s21, s3  }
0x9d: {  	[timem:s7], [sflag:s22] =	dma.local [hbm:s5], s20  }
0x9e: {  	_ =	swait.ge [sflag:s22], s20  }
0x9f: {  	s4 =	ssub.s32 $0x0, s20;
	[sflag:s22] =	ssyncset.done $0x0  }
0xa0: {  	[sflag:s22] =	ssyncadd.s32 s4;
	_ =	sdelay $0x1  }
0xa1: {  	s23 =	simm.s32 $0x1B8B  }
0xa2: {  	_ =	swait.ge [sflag:s23], $0x1  }
0xa3: {  	[sflag:s23] =	ssyncset.done $0x0  }
0xa4: {  	s25 =	simm.s32 $0x1B8E;
	s24 =	sld [smem:$0x3FFE];
	[sflag:s23] =	ssyncadd.s32 $0xFFFFFFFF  }
0xa5: {  	s26 =	simm.s32 $execute0_lowered;
	[smem:$0x3FD2] =	sst s25  }
0xa6: {  	s5 =	sshll.u32 s26, $0x1;
	_ =	strace $0x80000049;
	[dreg:$0x1] =	wrdreg $0xFFFFFFFF  }
0xa7: {  	s28 =	simm.s32 $_size_execute0_lowered;
	s3 =	sadd.s32 s3, s5;
	[dreg:$0x0] =	wrdreg $0x0  }
0xa8: {  	s5 =	sshll.u32 s28, $0x1;
	[dreg:$0x2] =	wrdreg s3  }
0xa9: {  	[dreg:$0x3] =	wrdreg s5  }
0xaa: {  	[dreg:$0x4] =	wrdreg $0xC0  }
0xab: {  	_ =	task [dreg:s7], $0x5FFFF  }
0xac: {  	[dreg:$0x1] =	wrdreg $0xFFFFFFFF  }
0xad: {  	[dreg:$0x0] =	wrdreg $0x60  }
0xae: {  	[dreg:$0x2] =	wrdreg s2  }
0xaf: {  	[dreg:$0x3] =	wrdreg s24  }
0xb0: {  	[dreg:$0x4] =	wrdreg $0x0  }
0xb1: {  	[dreg:$0x5] =	wrdreg $0x9  }
0xb2: {  	_ =	task.clear_ibuf [dreg:s7], $0x6FFFF;
	_ =	strace $0x90000049  }
0xb3: {  	s29 =	simm.s32 $0x9;
	_ =	strace $0x8000004B  }
0xb4: {  	_ =	swait.ge [sflag:s29], $0x1  }
0xb5: {  	[sflag:s29] =	ssyncadd.s32 $0xFFFFFFFF  }
0xb6: {  	_ =	strace $0x9000004B  }
0xb7: {  	_ =	sfence  }
0xb8: {  	s30 =	sld [smem:$0x0];
	_ =	sdelay $0x2  }
0xb9: {  	s31 =	sshll.u32 s1, $0xD;
	s1 =	sshrl.u32 s1, $0x2  }
0xba: {  	s3 =	sand.u32 $0x4000, s31;
	s1 =	sadd.s32 s1, s30  }
0xbb: {  	s0 =	sor.u32 s3, s0;
	s1 =	sshll.u32 s1, $0x11  }
0xbc: {  	s0 =	sor.u32 s1, s0  }
0xbd: {  	s0 =	sadd.s32 $0x8F2B, s0  }
0xbe: {  	[sflag:s0] =	ssyncadd.remote.s32 $0x1  }
0xbf: {  	_ =	sfence.sel $0xFFFF  }
0xc0: {  	[dreg:$0x0] =	wrdreg $0xFFFFFFFF;
	(pc) =	sbr.abs _section_cstart, $3  }
0xc1: {  	[dreg:$0x1] =	wrdreg $0xFFFFFFFF  }
0xc2: {  	_ =	task.clear_ibuf [dreg:s7], $0x2FFFF;
	_ =	strace $0x9FFFFFFF  }
0xc3: {  	(tm) =	ssettm $0x7FFFFFFF  }
tec
execute0_lowered:
.L_overlay_start_1:
0x0: {  	(tag) =	ssettag $0x1  }
0x1: {  	s1 =	rddreg [dreg:$0x0]  }
0x2: {  	s6 =	rddreg [dreg:$0x1]  }
0x3: {  	s3 =	rddreg [dreg:$0x2]  }
0x4: {  	s0 =	srdreg.scid;
	s2 =	rddreg [dreg:$0x3]  }
0x5: {  	s4 =	simm.s32 $0x0;
	s21 =	simm.s32 $0x14000;
	s22 =	simm.s32 $0x14068  }
0x6: {  	s23 =	simm.s32 $0x64;
	s24 =	simm.s32 $0x140D0;
	s7 =	sand.u32 $0x1, s0  }
0x7: {  	s25 =	simm.s32 $0x0;
	s0 =	stileid.u32;
	s5 =	smul.u32 $0x28A00, s7  }
0x8: {  	[smem:$0x7FF] =	sst s4;
	s15 =	sadd.s32 $0x16C00, s6;
	s8 =	smul.u32 $0x28A0, s0  }
0x9: {  	_ =	strace $0x8000004A;
	s30 =	ssub.s32 $0x2, s7;
	s10 =	smul.u32 $0x14000, s0  }
0xa: {  	s17 =	smul.u32 $0x140000, s7;
	s31 =	sshrl.u32 s30, $0x1;
	s5 =	sadd.s32 s8, s5  }
0xb: {  	s16 =	ssub.s32 s30, s31;
	s11 =	sadd.s32 $0x4000, s10;
	s13 =	sadd.s32 $0x8000, s10  }
0xc: {  	s14 =	sadd.s32 $0xC000, s10;
	s19 =	sadd.s32 $0x10000, s10;
	s12 =	sadd.s32 s10, s17  }
0xd: {  	s5 =	sshrl.u32 s5, $0x3;
	s7 =	sadd.s32 s11, s3;
	s8 =	sadd.s32 s13, s3  }
0xe: {  	s9 =	sadd.s32 s14, s3;
	s11 =	sadd.s32 s17, s11;
	s12 =	sshrl.u32 s12, $0x3  }
0xf: {  	s13 =	sadd.s32 s17, s13;
	s14 =	sadd.s32 s17, s14;
	s17 =	sadd.s32 s17, s19  }
0x10: {  	s16 =	smax.u32 s16, $0x1;
	s18 =	sadd.s32 s5, s6;
	s5 =	sadd.s32 $0x16400, s6  }
0x11: {  	s6 =	sadd.s32 s10, s3;
	s10 =	sadd.s32 s19, s3;
	s20 =	sshrl.u32 s11, $0x3  }
0x12: {  	s11 =	sadd.s32 s15, s12;
	s13 =	sshrl.u32 s13, $0x3;
	s14 =	sshrl.u32 s14, $0x3  }
0x13: {  	s17 =	sshrl.u32 s17, $0x3;
	s19 =	simm.s32 $0x172D0;
	s12 =	sadd.s32 s15, s20  }
0x14: {  	s13 =	sadd.s32 s15, s13;
	s14 =	sadd.s32 s15, s14;
	s15 =	sadd.s32 s15, s17  }
0x15: {  	s17 =	sadd.s32 $0x1800, s18;
	s18 =	sadd.s32 $0xBC00, s18;
	s20 =	simm.s32 $0x1  }
.LBB2_1:
0x16: {  	[tilespmem:s19], [sflag:$0x1] =	stream.linear.gather [hbm4b:s5+s4], $0x4000, $0x38;
	[tilespmem:$0x1B2D0] =	vst v63  }
0x17: {  	_ =	swait.ge [sflag:s20], $0x4000  }
0x18: {  	[sflag:s20] =	ssyncset.done $0x0  }
0x19: {  	[sflag:s20] =	ssyncadd.s32 $0xFFFFC000  }
0x1a: {  	[spmem:s6] =	stream.linear.scatter [tilespmem:s19], [sflag:$0x1], $0x4000, $0x38;
	[tilespmem:$0x1B2D0] =	vst v63  }
0x1b: {  	_ =	swait.ge [sflag:s20], $0x4000  }
0x1c: {  	[sflag:s20] =	ssyncset.done $0x0  }
0x1d: {  	[sflag:s20] =	ssyncadd.s32 $0xFFFFC000  }
0x1e: {  	[spmem:s7] =	stream.linear.scatter [tilespmem:s19], [sflag:$0x1], $0x4000, $0x38;
	[tilespmem:$0x1B2D0] =	vst v63  }
0x1f: {  	_ =	swait.ge [sflag:s20], $0x4000  }
0x20: {  	[sflag:s20] =	ssyncset.done $0x0  }
0x21: {  	[sflag:s20] =	ssyncadd.s32 $0xFFFFC000  }
0x22: {  	[spmem:s8] =	stream.linear.scatter [tilespmem:s19], [sflag:$0x1], $0x4000, $0x38;
	[tilespmem:$0x1B2D0] =	vst v63  }
0x23: {  	_ =	swait.ge [sflag:s20], $0x4000  }
0x24: {  	[sflag:s20] =	ssyncset.done $0x0  }
0x25: {  	[sflag:s20] =	ssyncadd.s32 $0xFFFFC000  }
0x26: {  	[spmem:s9] =	stream.linear.scatter [tilespmem:s19], [sflag:$0x1], $0x4000, $0x38;
	[tilespmem:$0x1B2D0] =	vst v63  }
0x27: {  	_ =	swait.ge [sflag:s20], $0x4000  }
0x28: {  	[sflag:s20] =	ssyncset.done $0x0  }
0x29: {  	[sflag:s20] =	ssyncadd.s32 $0xFFFFC000  }
0x2a: {  	[spmem:s10] =	stream.linear.scatter [tilespmem:s19], [sflag:$0x1], $0x4000, $0x38;
	[tilespmem:$0x1B2D0] =	vst v63  }
0x2b: {  	_ =	swait.ge [sflag:s20], $0x4000  }
0x2c: {  	[sflag:s20] =	ssyncset.done $0x0  }
0x2d: {  	[sflag:s20] =	ssyncadd.s32 $0xFFFFC000  }
0x2e: {  	s26 =	sadd.s32 $0x0, s18;
	[bflag:$0x0] =	sbarrier.arrive $0xFFFF  }
0x2f: {  	[tilespmem:s21], [sflag:$0x1] =	stream.linear.gather [hbm4b:s26+s4], $0x68, $0x38;
	[tilespmem:$0x1B2D0] =	vst v63  }
0x30: {  	_ =	swait.ge [sflag:s20], $0x68  }
0x31: {  	[sflag:s20] =	ssyncset.done $0x0  }
0x32: {  	s31 =	sadd.s32 $0x0, s17;
	[sflag:s20] =	ssyncadd.s32 $0xFFFFFF98  }
0x33: {  	[tilespmem:s22], [sflag:$0x1] =	stream.linear.gather [hbm4b:s31+s4], $0x68, $0x38;
	[tilespmem:$0x1B2D0] =	vst v63  }
0x34: {  	_ =	swait.ge [sflag:s20], $0x68  }
0x35: {  	[sflag:s20] =	ssyncset.done $0x0  }
0x36: {  	[sflag:s20] =	ssyncadd.s32 $0xFFFFFF98  }
0x37: {  	[tilespmem:s24], [sflag:$0x1] =	stream.indirect.gather [hbm4b:s1+s23], $0x80, s21, s23, $0xb8;
	[tilespmem:$0x1B2D0] =	vst v63  }
0x38: {  	_ =	swait.ge [sflag:s20], $0x3200  }
0x39: {  	[sflag:s20] =	ssyncset.done $0x0  }
0x3a: {  	[sflag:s20] =	ssyncadd.s32 $0xFFFFCE00  }
0x3b: {  	[spmem:s3] =	stream.indirect.scatter.add.f32 [tilespmem:s24], [sflag:$0x1], $0x80, s22, s23, $0xb8;
	[tilespmem:$0x1B2D0] =	vst v63  }
0x3c: {  	_ =	swait.ge [sflag:s20], $0x3200  }
0x3d: {  	s28 =	simm.s32 $0x1A;
	s26 =	simm.s32 $0xD;
	[sflag:s20] =	ssyncset.done $0x0  }
.LBB2_2:
0x3e: {  	s29 =	sadd.s32 s26, s18  }
0x3f: {  	[sflag:s20] =	ssyncadd.s32 $0xFFFFCE00;
	s30 =	smov.u32 s28;
	s31 =	sadd.s32 $0xD, s28  }
0x40: {  	[tilespmem:s21], [sflag:$0x1] =	stream.linear.gather [hbm4b:s29+s4], $0x68, $0x38;
	[tilespmem:$0x1B2D0] =	vst v63  }
0x41: {  	p0 =	sne.s32 s28, $0x507;
	_ =	swait.ge [sflag:s20], $0x68  }
0x42: {  	[sflag:s20] =	ssyncset.done $0x0  }
0x43: {  	s28 =	sadd.s32 s26, s17;
	s26 =	smov.u32 s30;
	[sflag:s20] =	ssyncadd.s32 $0xFFFFFF98  }
0x44: {  	[tilespmem:s22], [sflag:$0x1] =	stream.linear.gather [hbm4b:s28+s4], $0x68, $0x38;
	[tilespmem:$0x1B2D0] =	vst v63  }
0x45: {  	_ =	swait.ge [sflag:s20], $0x68  }
0x46: {  	[sflag:s20] =	ssyncset.done $0x0  }
0x47: {  	[sflag:s20] =	ssyncadd.s32 $0xFFFFFF98  }
0x48: {  	[tilespmem:s24], [sflag:$0x1] =	stream.indirect.gather [hbm4b:s1+s23], $0x80, s21, s23, $0xb8;
	[tilespmem:$0x1B2D0] =	vst v63  }
0x49: {  	_ =	swait.ge [sflag:s20], $0x3200  }
.Ltmp0:
0x4a: {  	[sflag:s20] =	ssyncset.done $0x0;
	(pc) =	sbr.rel @p0 .LBB2_2-.Ltmp0, $4  }
0x4b: {  	[sflag:s20] =	ssyncadd.s32 $0xFFFFCE00  }
0x4c: {  	[spmem:s3] =	stream.indirect.scatter.add.f32 [tilespmem:s24], [sflag:$0x1], $0x80, s22, s23, $0xb8;
	[tilespmem:$0x1B2D0] =	vst v63  }
0x4d: {  	_ =	swait.ge [sflag:s20], $0x3200  }
0x4e: {  	s28 =	smov.u32 s31;
	[sflag:s20] =	ssyncset.done $0x0  }
0x4f: {  	s28 =	sadd.s32 s26, s18;
	[sflag:s20] =	ssyncadd.s32 $0xFFFFCE00  }
0x50: {  	[tilespmem:s21], [sflag:$0x1] =	stream.linear.gather [hbm4b:s28+s4], $0x68, $0x38;
	[tilespmem:$0x1B2D0] =	vst v63  }
0x51: {  	_ =	swait.ge [sflag:s20], $0x68  }
0x52: {  	[sflag:s20] =	ssyncset.done $0x0  }
0x53: {  	s31 =	sadd.s32 s26, s17;
	[sflag:s20] =	ssyncadd.s32 $0xFFFFFF98  }
0x54: {  	[tilespmem:s22], [sflag:$0x1] =	stream.linear.gather [hbm4b:s31+s4], $0x68, $0x38;
	[tilespmem:$0x1B2D0] =	vst v63  }
0x55: {  	_ =	swait.ge [sflag:s20], $0x68  }
0x56: {  	[sflag:s20] =	ssyncset.done $0x0  }
0x57: {  	[sflag:s20] =	ssyncadd.s32 $0xFFFFFF98  }
0x58: {  	[tilespmem:s24], [sflag:$0x1] =	stream.indirect.gather [hbm4b:s1+s23], $0x80, s21, s23, $0xb8;
	[tilespmem:$0x1B2D0] =	vst v63  }
0x59: {  	_ =	swait.ge [sflag:s20], $0x3200  }
0x5a: {  	[sflag:s20] =	ssyncset.done $0x0  }
0x5b: {  	[sflag:s20] =	ssyncadd.s32 $0xFFFFCE00  }
0x5c: {  	[spmem:s3] =	stream.indirect.scatter.add.f32 [tilespmem:s24], [sflag:$0x1], $0x80, s22, s23, $0xb8;
	[tilespmem:$0x1B2D0] =	vst v63  }
0x5d: {  	_ =	swait.ge [sflag:s20], $0x3200  }
0x5e: {  	[sflag:s20] =	ssyncset.done $0x0  }
0x5f: {  	[sflag:s20] =	ssyncadd.s32 $0xFFFFCE00  }
0x60: {  	[bflag:$0x0] =	sbarrier.arrive $0xFFFF  }
0x61: {  	[tilespmem:s19], [sflag:$0x1] =	stream.linear.gather [spmem:s6], $0x4000, $0x38;
	[tilespmem:$0x1B2D0] =	vst v63  }
0x62: {  	_ =	swait.ge [sflag:s20], $0x4000  }
0x63: {  	[sflag:s20] =	ssyncset.done $0x0  }
0x64: {  	[sflag:s20] =	ssyncadd.s32 $0xFFFFC000  }
0x65: {  	[hbm4b:s11+s4] =	stream.linear.scatter [tilespmem:s19], [sflag:$0x1], $0x4000, $0x38;
	[tilespmem:$0x1B2D0] =	vst v63  }
0x66: {  	_ =	swait.ge [sflag:s20], $0x4000  }
0x67: {  	[sflag:s20] =	ssyncset.done $0x0  }
0x68: {  	[sflag:s20] =	ssyncadd.s32 $0xFFFFC000  }
0x69: {  	[tilespmem:s19], [sflag:$0x1] =	stream.linear.gather [spmem:s7], $0x4000, $0x38;
	[tilespmem:$0x1B2D0] =	vst v63  }
0x6a: {  	_ =	swait.ge [sflag:s20], $0x4000  }
0x6b: {  	[sflag:s20] =	ssyncset.done $0x0  }
0x6c: {  	[sflag:s20] =	ssyncadd.s32 $0xFFFFC000  }
0x6d: {  	[hbm4b:s12+s4] =	stream.linear.scatter [tilespmem:s19], [sflag:$0x1], $0x4000, $0x38;
	[tilespmem:$0x1B2D0] =	vst v63  }
0x6e: {  	_ =	swait.ge [sflag:s20], $0x4000  }
0x6f: {  	[sflag:s20] =	ssyncset.done $0x0  }
0x70: {  	[sflag:s20] =	ssyncadd.s32 $0xFFFFC000  }
0x71: {  	[tilespmem:s19], [sflag:$0x1] =	stream.linear.gather [spmem:s8], $0x4000, $0x38;
	[tilespmem:$0x1B2D0] =	vst v63  }
0x72: {  	_ =	swait.ge [sflag:s20], $0x4000  }
0x73: {  	[sflag:s20] =	ssyncset.done $0x0  }
0x74: {  	[sflag:s20] =	ssyncadd.s32 $0xFFFFC000  }
0x75: {  	[hbm4b:s13+s4] =	stream.linear.scatter [tilespmem:s19], [sflag:$0x1], $0x4000, $0x38;
	[tilespmem:$0x1B2D0] =	vst v63  }
0x76: {  	_ =	swait.ge [sflag:s20], $0x4000  }
0x77: {  	[sflag:s20] =	ssyncset.done $0x0  }
0x78: {  	[sflag:s20] =	ssyncadd.s32 $0xFFFFC000  }
0x79: {  	[tilespmem:s19], [sflag:$0x1] =	stream.linear.gather [spmem:s9], $0x4000, $0x38;
	[tilespmem:$0x1B2D0] =	vst v63  }
0x7a: {  	_ =	swait.ge [sflag:s20], $0x4000  }
0x7b: {  	[sflag:s20] =	ssyncset.done $0x0  }
0x7c: {  	[sflag:s20] =	ssyncadd.s32 $0xFFFFC000  }
0x7d: {  	[hbm4b:s14+s4] =	stream.linear.scatter [tilespmem:s19], [sflag:$0x1], $0x4000, $0x38;
	[tilespmem:$0x1B2D0] =	vst v63  }
0x7e: {  	_ =	swait.ge [sflag:s20], $0x4000  }
0x7f: {  	[sflag:s20] =	ssyncset.done $0x0  }
0x80: {  	[sflag:s20] =	ssyncadd.s32 $0xFFFFC000  }
0x81: {  	[tilespmem:s19], [sflag:$0x1] =	stream.linear.gather [spmem:s10], $0x4000, $0x38;
	[tilespmem:$0x1B2D0] =	vst v63  }
0x82: {  	s25 =	sadd.s32 $0x1, s25;
	_ =	swait.ge [sflag:s20], $0x4000  }
0x83: {  	p0 =	sne.s32 s25, s16;
	[sflag:s20] =	ssyncset.done $0x0  }
.Ltmp1:
0x84: {  	[sflag:s20] =	ssyncadd.s32 $0xFFFFC000;
	(pc) =	sbr.rel @p0 .LBB2_1-.Ltmp1, $4  }
0x85: {  	[hbm4b:s15+s4] =	stream.linear.scatter [tilespmem:s19], [sflag:$0x1], $0x4000, $0x38;
	[tilespmem:$0x1B2D0] =	vst v63  }
0x86: {  	_ =	swait.ge [sflag:s20], $0x4000  }
0x87: {  	[sflag:s20] =	ssyncset.done $0x0  }
0x88: {  	[sflag:s20] =	ssyncadd.s32 $0xFFFFC000  }
0x89: {  	_ =	sfence.sel $0x180000  }
0x8a: {  	[bflag:$0x0] =	sbarrier.arrive $0xFFFF  }
0x8b: {  	p0 =	sne.s32 s0, $0x0;
	_ =	strace $0x9000004A  }
0x8c: {  	s0 =	sadd.s32 @!p0 $0x100000, s2;
	[bflag:$0x2] =	sbarrier.arrive $0xFFFF  }
0x8d: {  	[sflag:s0] =	ssyncadd.tile.s32 @!p0 $0x1;
	_ =	shalt  }
.Lfunc_end2:
_tile_overlayer_lowered:
.L_overlay_start_2:
0x8e: {  	(tag) =	ssettag $0x2  }
0x8f: {  	s0 =	rddreg [dreg:$0x0];
	s2 =	stileid.u32  }
0x90: {  	s1 =	rddreg [dreg:$0x1];
	p0 =	sne.s32 s2, $0x0  }
0x91: {  	s3 =	rddreg [dreg:$0x2];
	[bflag:$0x3] =	sbarrier.arrive $0xFFFF;
	s2 =	simm.s32 @!p0 $0x1C01  }
0x92: {  	[timem:s3], [sflag:s2] =	dma.local @!p0 [hbm:s0], s1  }
0x93: {  	s0 =	simm.s32 @!p0 $0x1  }
0x94: {  	_ =	swait.ge @!p0 [sflag:s0], s1  }
0x95: {  	s1 =	ssub.s32 @!p0 $0x0, s1;
	[sflag:s0] =	ssyncset.done @!p0 $0x0  }
0x96: {  	[sflag:s0] =	ssyncadd.s32 @!p0 s1  }
0x97: {  	[bflag:$0x3] =	sbarrier.arrive $0xFFFF  }
0x98: {  	_ =	shalt  }

</sc_bundles>
